<compile_context>
chip_gen: v7x
topology: tpu7x:2x2x1
jax: 0.10.2.dev20260603
libtpu: 0.0.44.dev20260713+nightly
codegen_flags: <defaults>
</compile_context>

<pallas_src>
import functools

import jax
import jax.numpy as jnp
from jax import lax
from jax.experimental import pallas as pl
from jax.experimental.pallas import tpu as pltpu
from jax.experimental.pallas import tpu_sc as plsc

_G = 128
_NB = 4


@functools.partial(jax.jit, static_argnames=("num_rows",))
def _sc_gather(table128, idx_grouped, num_rows):
    info = plsc.get_sparse_core_info()
    nw = info.num_cores * info.num_subcores
    rows_per_w = num_rows // nw
    n_groups = rows_per_w // _G
    mesh = plsc.VectorSubcoreMesh(core_axis_name="c", subcore_axis_name="s")

    @functools.partial(
        pl.kernel,
        mesh=mesh,
        out_type=jax.ShapeDtypeStruct((num_rows, 128), jnp.float32),
        compiler_params=pltpu.CompilerParams(use_tc_tiling_on_sc=False),
        scratch_types=[
            pltpu.VMEM((n_groups, _G), jnp.int32),
            pltpu.VMEM((_NB, _G, 128), jnp.float32),
            pltpu.SemaphoreType.DMA((_NB,)),
            pltpu.SemaphoreType.DMA((_NB,)),
        ],
    )
    def k(table_hbm, idx_hbm, out_hbm, idx_v, rows_v, gsem, ssem):
        wid = lax.axis_index("s") * info.num_cores + lax.axis_index("c")
        base = wid * rows_per_w
        pltpu.sync_copy(
            idx_hbm.at[pl.ds(pl.multiple_of(wid * n_groups, 8), n_groups)], idx_v
        )

        def fire(m, bk):
            pltpu.async_copy(table_hbm.at[idx_v.at[m]], rows_v.at[bk], gsem.at[bk])

        def wait_gather(bk):
            pltpu.make_async_copy(
                table_hbm.at[pl.ds(0, _G)], rows_v.at[bk], gsem.at[bk]
            ).wait()

        def store(m, bk):
            off = pl.multiple_of(base + m * _G, _G)
            pltpu.async_copy(
                rows_v.at[bk, :, pl.ds(0, 64)],
                out_hbm.at[pl.ds(off, _G), pl.ds(0, 64)],
                ssem.at[bk],
            )

        def wait_store(bk):
            pltpu.make_async_copy(
                table_hbm.at[pl.ds(0, _G), pl.ds(0, 64)],
                rows_v.at[bk, :, pl.ds(0, 64)],
                ssem.at[bk],
            ).wait()

        for bk in range(_NB):
            fire(bk, bk)

        @pl.loop(0, n_groups, step=_NB)
        def _ring(i):
            for bk in range(_NB):
                m = i + bk
                wait_gather(bk)
                store(m, bk)

                @pl.when(m + _NB < n_groups)
                def _():
                    wait_store(bk)
                    fire(m + _NB, bk)

        for bk in range(_NB):
            wait_store(bk)

    return k(table128, idx_grouped)


def kernel(token_ids, weight):
    b, s = token_ids.shape
    v, d = weight.shape
    num_rows = b * s
    table128 = jnp.pad(weight, ((0, 0), (0, 128 - d)))
    idx_grouped = token_ids.astype(jnp.int32).reshape(num_rows // _G, _G)
    out128 = _sc_gather(table128, idx_grouped, num_rows)
    return out128[:, :d].reshape(b, s, d)

# --- scband reference (transcript-rebuilt; emitter-appended) ---
"""Pipeline reference for scband-embedding-30863634989184 (READ-ONLY COPY).

The authoritative reference and input builder live on the scoring server;
editing this copy changes nothing except your own understanding.
"""

import jax, jax.numpy as jnp
import numpy as np

NUM_EMBEDDINGS = 1000000
EMBEDDING_DIM = 64


def setup_inputs(seed: int = 0) -> dict:
    key = jax.random.key(seed)
    k1, k2 = jax.random.split(key)
    token_ids = jax.random.randint(k1, (4096, 200), 0, NUM_EMBEDDINGS, dtype=jnp.int64 if jax.config.jax_enable_x64 else jnp.int32)
    # trunc_normal init (std=1, a=-3, b=3) approximated by clipped normal
    weight = jnp.clip(jax.random.normal(k2, (NUM_EMBEDDINGS, EMBEDDING_DIM), dtype=jnp.float32), -3.0, 3.0)
    return {"token_ids": token_ids, "weight": weight}


def reference(token_ids, weight):
    # Embedding lookup: weight[token_ids] -> [..., embedding_dim]
    return jnp.take(weight, token_ids, axis=0)

if __name__ == "__main__":
    import jax
    _d = setup_inputs()
    print(jax.jit(kernel)(*tuple(_d.values())))

</pallas_src>

<mosaic_0001>
#map = affine_map<(d0, d1) -> (0, 0)>
module attributes {stable_mosaic.version = 14 : i64} {
  func.func @k(%arg0: i32, %arg1: i32, %arg2: memref<1000000x128xf32, #tpu.memory_space<hbm>>, %arg3: memref<6400x128xi32, #tpu.memory_space<hbm>>, %arg4: memref<819200x128xf32, #tpu.memory_space<hbm>>, %arg5: memref<200x128xi32, #tpu.memory_space<vmem>>, %arg6: memref<4x128x128xf32, #tpu.memory_space<vmem>>, %arg7: memref<4x!tpu.dma_semaphore, #tpu.memory_space<semaphore_mem>>, %arg8: memref<4x!tpu.dma_semaphore, #tpu.memory_space<semaphore_mem>>) attributes {dimension_semantics = [#tpu.dimension_semantics<core_parallel>, #tpu.dimension_semantics<subcore_parallel>], iteration_bounds = array<i64: 2, 16>, scalar_prefetch = 0 : i64, scratch_operands = 4 : i64, tpu.core_type = #tpu.core_type<sc_vector_subcore>, window_params = [{transform_indices = #map}, {transform_indices = #map}, {transform_indices = #map}]} {
    %mul3A = arith.constant 2 : i32
    %mul3A_0 = arith.muli %arg1, %mul3A : i32
    %add3A = arith.addi %mul3A_0, %arg0 : i32
    %mul3A_1 = arith.constant 25600 : i32
    %mul3A_2 = arith.muli %add3A, %mul3A_1 : i32
    %mul3A_3 = arith.constant 200 : i32
    %mul3A_4 = arith.muli %add3A, %mul3A_3 : i32
    %multiple_of3A = tpu.assume_multiple %mul3A_4, 8 : i32
    "tpu.region"() ({
      %run_scoped3A = tpu.sem_alloc : memref<!tpu.dma_semaphore, #tpu.memory_space<semaphore_mem>>
      %dma_start3A_139 = arith.constant 0 : i32
      %dma_start3A_140 = tpu.memref_slice %arg3[%multiple_of3A, %dma_start3A_139] : memref<6400x128xi32, #tpu.memory_space<hbm>> -> memref<200x128xi32, #tpu.memory_space<hbm>>
      %dma_start3A_141 = arith.constant 0 : i32
      %dma_start3A_142 = tpu.memref_slice %arg3[%multiple_of3A, %dma_start3A_141] : memref<6400x128xi32, #tpu.memory_space<hbm>> -> memref<200x128xi32, #tpu.memory_space<hbm>>
      tpu.enqueue_dma source(%dma_start3A_142 : memref<200x128xi32, #tpu.memory_space<hbm>>) target(%arg5 : memref<200x128xi32, #tpu.memory_space<vmem>>) target_semaphore(%run_scoped3A : memref<!tpu.dma_semaphore, #tpu.memory_space<semaphore_mem>>)
      %dma_wait3A_143 = arith.constant 0 : i32
      %dma_wait3A_144 = tpu.memref_slice %arg3[%multiple_of3A, %dma_wait3A_143] : memref<6400x128xi32, #tpu.memory_space<hbm>> -> memref<200x128xi32, #tpu.memory_space<hbm>>
      %dma_wait3A_145 = arith.constant 0 : i32
      %dma_wait3A_146 = tpu.memref_slice %arg3[%multiple_of3A, %dma_wait3A_145] : memref<6400x128xi32, #tpu.memory_space<hbm>> -> memref<200x128xi32, #tpu.memory_space<hbm>>
      tpu.wait_dma2 semaphore(%run_scoped3A : memref<!tpu.dma_semaphore, #tpu.memory_space<semaphore_mem>>) src(%dma_wait3A_146 : memref<200x128xi32, #tpu.memory_space<hbm>>) dst(%arg5 : memref<200x128xi32, #tpu.memory_space<vmem>>)
      tpu.yield
    }) : () -> ()
    %dma_start3A = arith.constant 0 : i32
    %dma_start3A_5 = arith.constant 0 : i32
    %dma_start3A_6 = arith.constant 0 : i32
    %dma_start3A_7 = arith.constant 0 : i32
    %dma_start3A_8 = arith.constant 0 : i32
    %dma_start3A_9 = tpu.memref_slice %arg6[%dma_start3A_5, %dma_start3A_7, %dma_start3A_8] : memref<4x128x128xf32, #tpu.memory_space<vmem>> -> memref<1x128x128xf32, #tpu.memory_space<vmem>>
    %dma_start3A_10 = tpu.memref_squeeze %dma_start3A_9 : memref<1x128x128xf32, #tpu.memory_space<vmem>> -> memref<128x128xf32, #tpu.memory_space<vmem>>
    %dma_start3A_11 = arith.constant 0 : i32
    %dma_start3A_12 = tpu.memref_slice %arg5[%dma_start3A, %dma_start3A_11] : memref<200x128xi32, #tpu.memory_space<vmem>> -> memref<1x128xi32, #tpu.memory_space<vmem>>
    %dma_start3A_13 = tpu.memref_squeeze %dma_start3A_12 : memref<1x128xi32, #tpu.memory_space<vmem>> -> memref<128xi32, #tpu.memory_space<vmem>>
    %dma_start3A_14 = arith.constant 0 : i32
    %dma_start3A_15 = arith.constant 0 : i32
    %dma_start3A_16 = tpu.memref_slice %arg2[%dma_start3A_14, %dma_start3A_15] : memref<1000000x128xf32, #tpu.memory_space<hbm>> -> memref<1000000x128xf32, #tpu.memory_space<hbm>>
    %dma_start3A_17 = tpu.memref_slice %arg7[%dma_start3A_6] : memref<4x!tpu.dma_semaphore, #tpu.memory_space<semaphore_mem>> -> memref<1x!tpu.dma_semaphore, #tpu.memory_space<semaphore_mem>>
    %dma_start3A_18 = tpu.memref_squeeze %dma_start3A_17 : memref<1x!tpu.dma_semaphore, #tpu.memory_space<semaphore_mem>> -> memref<!tpu.dma_semaphore, #tpu.memory_space<semaphore_mem>>
    tpu.enqueue_indirect_dma source(%dma_start3A_16 : memref<1000000x128xf32, #tpu.memory_space<hbm>>) target(%dma_start3A_10 : memref<128x128xf32, #tpu.memory_space<vmem>>) offsets(%dma_start3A_13 : memref<128xi32, #tpu.memory_space<vmem>>) semaphore(%dma_start3A_18 : memref<!tpu.dma_semaphore, #tpu.memory_space<semaphore_mem>>)
    %dma_start3A_19 = arith.constant 1 : i32
    %dma_start3A_20 = arith.constant 1 : i32
    %dma_start3A_21 = arith.constant 1 : i32
    %dma_start3A_22 = arith.constant 0 : i32
    %dma_start3A_23 = arith.constant 0 : i32
    %dma_start3A_24 = tpu.memref_slice %arg6[%dma_start3A_20, %dma_start3A_22, %dma_start3A_23] : memref<4x128x128xf32, #tpu.memory_space<vmem>> -> memref<1x128x128xf32, #tpu.memory_space<vmem>>
    %dma_start3A_25 = tpu.memref_squeeze %dma_start3A_24 : memref<1x128x128xf32, #tpu.memory_space<vmem>> -> memref<128x128xf32, #tpu.memory_space<vmem>>
    %dma_start3A_26 = arith.constant 0 : i32
    %dma_start3A_27 = tpu.memref_slice %arg5[%dma_start3A_19, %dma_start3A_26] : memref<200x128xi32, #tpu.memory_space<vmem>> -> memref<1x128xi32, #tpu.memory_space<vmem>>
    %dma_start3A_28 = tpu.memref_squeeze %dma_start3A_27 : memref<1x128xi32, #tpu.memory_space<vmem>> -> memref<128xi32, #tpu.memory_space<vmem>>
    %dma_start3A_29 = arith.constant 0 : i32
    %dma_start3A_30 = arith.constant 0 : i32
    %dma_start3A_31 = tpu.memref_slice %arg2[%dma_start3A_29, %dma_start3A_30] : memref<1000000x128xf32, #tpu.memory_space<hbm>> -> memref<1000000x128xf32, #tpu.memory_space<hbm>>
    %dma_start3A_32 = tpu.memref_slice %arg7[%dma_start3A_21] : memref<4x!tpu.dma_semaphore, #tpu.memory_space<semaphore_mem>> -> memref<1x!tpu.dma_semaphore, #tpu.memory_space<semaphore_mem>>
    %dma_start3A_33 = tpu.memref_squeeze %dma_start3A_32 : memref<1x!tpu.dma_semaphore, #tpu.memory_space<semaphore_mem>> -> memref<!tpu.dma_semaphore, #tpu.memory_space<semaphore_mem>>
    tpu.enqueue_indirect_dma source(%dma_start3A_31 : memref<1000000x128xf32, #tpu.memory_space<hbm>>) target(%dma_start3A_25 : memref<128x128xf32, #tpu.memory_space<vmem>>) offsets(%dma_start3A_28 : memref<128xi32, #tpu.memory_space<vmem>>) semaphore(%dma_start3A_33 : memref<!tpu.dma_semaphore, #tpu.memory_space<semaphore_mem>>)
    %dma_start3A_34 = arith.constant 2 : i32
    %dma_start3A_35 = arith.constant 2 : i32
    %dma_start3A_36 = arith.constant 2 : i32
    %dma_start3A_37 = arith.constant 0 : i32
    %dma_start3A_38 = arith.constant 0 : i32
    %dma_start3A_39 = tpu.memref_slice %arg6[%dma_start3A_35, %dma_start3A_37, %dma_start3A_38] : memref<4x128x128xf32, #tpu.memory_space<vmem>> -> memref<1x128x128xf32, #tpu.memory_space<vmem>>
    %dma_start3A_40 = tpu.memref_squeeze %dma_start3A_39 : memref<1x128x128xf32, #tpu.memory_space<vmem>> -> memref<128x128xf32, #tpu.memory_space<vmem>>
    %dma_start3A_41 = arith.constant 0 : i32
    %dma_start3A_42 = tpu.memref_slice %arg5[%dma_start3A_34, %dma_start3A_41] : memref<200x128xi32, #tpu.memory_space<vmem>> -> memref<1x128xi32, #tpu.memory_space<vmem>>
    %dma_start3A_43 = tpu.memref_squeeze %dma_start3A_42 : memref<1x128xi32, #tpu.memory_space<vmem>> -> memref<128xi32, #tpu.memory_space<vmem>>
    %dma_start3A_44 = arith.constant 0 : i32
    %dma_start3A_45 = arith.constant 0 : i32
    %dma_start3A_46 = tpu.memref_slice %arg2[%dma_start3A_44, %dma_start3A_45] : memref<1000000x128xf32, #tpu.memory_space<hbm>> -> memref<1000000x128xf32, #tpu.memory_space<hbm>>
    %dma_start3A_47 = tpu.memref_slice %arg7[%dma_start3A_36] : memref<4x!tpu.dma_semaphore, #tpu.memory_space<semaphore_mem>> -> memref<1x!tpu.dma_semaphore, #tpu.memory_space<semaphore_mem>>
    %dma_start3A_48 = tpu.memref_squeeze %dma_start3A_47 : memref<1x!tpu.dma_semaphore, #tpu.memory_space<semaphore_mem>> -> memref<!tpu.dma_semaphore, #tpu.memory_space<semaphore_mem>>
    tpu.enqueue_indirect_dma source(%dma_start3A_46 : memref<1000000x128xf32, #tpu.memory_space<hbm>>) target(%dma_start3A_40 : memref<128x128xf32, #tpu.memory_space<vmem>>) offsets(%dma_start3A_43 : memref<128xi32, #tpu.memory_space<vmem>>) semaphore(%dma_start3A_48 : memref<!tpu.dma_semaphore, #tpu.memory_space<semaphore_mem>>)
    %dma_start3A_49 = arith.constant 3 : i32
    %dma_start3A_50 = arith.constant 3 : i32
    %dma_start3A_51 = arith.constant 3 : i32
    %dma_start3A_52 = arith.constant 0 : i32
    %dma_start3A_53 = arith.constant 0 : i32
    %dma_start3A_54 = tpu.memref_slice %arg6[%dma_start3A_50, %dma_start3A_52, %dma_start3A_53] : memref<4x128x128xf32, #tpu.memory_space<vmem>> -> memref<1x128x128xf32, #tpu.memory_space<vmem>>
    %dma_start3A_55 = tpu.memref_squeeze %dma_start3A_54 : memref<1x128x128xf32, #tpu.memory_space<vmem>> -> memref<128x128xf32, #tpu.memory_space<vmem>>
    %dma_start3A_56 = arith.constant 0 : i32
    %dma_start3A_57 = tpu.memref_slice %arg5[%dma_start3A_49, %dma_start3A_56] : memref<200x128xi32, #tpu.memory_space<vmem>> -> memref<1x128xi32, #tpu.memory_space<vmem>>
    %dma_start3A_58 = tpu.memref_squeeze %dma_start3A_57 : memref<1x128xi32, #tpu.memory_space<vmem>> -> memref<128xi32, #tpu.memory_space<vmem>>
    %dma_start3A_59 = arith.constant 0 : i32
    %dma_start3A_60 = arith.constant 0 : i32
    %dma_start3A_61 = tpu.memref_slice %arg2[%dma_start3A_59, %dma_start3A_60] : memref<1000000x128xf32, #tpu.memory_space<hbm>> -> memref<1000000x128xf32, #tpu.memory_space<hbm>>
    %dma_start3A_62 = tpu.memref_slice %arg7[%dma_start3A_51] : memref<4x!tpu.dma_semaphore, #tpu.memory_space<semaphore_mem>> -> memref<1x!tpu.dma_semaphore, #tpu.memory_space<semaphore_mem>>
    %dma_start3A_63 = tpu.memref_squeeze %dma_start3A_62 : memref<1x!tpu.dma_semaphore, #tpu.memory_space<semaphore_mem>> -> memref<!tpu.dma_semaphore, #tpu.memory_space<semaphore_mem>>
    tpu.enqueue_indirect_dma source(%dma_start3A_61 : memref<1000000x128xf32, #tpu.memory_space<hbm>>) target(%dma_start3A_55 : memref<128x128xf32, #tpu.memory_space<vmem>>) offsets(%dma_start3A_58 : memref<128xi32, #tpu.memory_space<vmem>>) semaphore(%dma_start3A_63 : memref<!tpu.dma_semaphore, #tpu.memory_space<semaphore_mem>>)
    %scan3A = arith.constant 0 : i32
    %scan3A_64 = arith.constant 50 : i32
    %scan3A_65 = arith.addi %scan3A, %scan3A_64 : i32
    %scan3A_66 = arith.constant 1 : i32
    scf.for %scan3A_139 = %scan3A to %scan3A_65 step %scan3A_66  : i32 {
      %mul3A_140 = arith.constant 4 : i32
      %mul3A_141 = arith.muli %scan3A_139, %mul3A_140 : i32
      %add3A_142 = arith.constant 0 : i32
      %add3A_143 = arith.addi %add3A_142, %mul3A_141 : i32
      %add3A_144 = arith.constant 0 : i32
      %add3A_145 = arith.addi %add3A_143, %add3A_144 : i32
      %dma_wait3A_146 = arith.constant 0 : i32
      %dma_wait3A_147 = arith.constant 0 : i32
      %dma_wait3A_148 = arith.constant 0 : i32
      %dma_wait3A_149 = arith.constant 0 : i32
      %dma_wait3A_150 = tpu.memref_slice %arg6[%dma_wait3A_146, %dma_wait3A_148, %dma_wait3A_149] : memref<4x128x128xf32, #tpu.memory_space<vmem>> -> memref<1x128x128xf32, #tpu.memory_space<vmem>>
      %dma_wait3A_151 = tpu.memref_squeeze %dma_wait3A_150 : memref<1x128x128xf32, #tpu.memory_space<vmem>> -> memref<128x128xf32, #tpu.memory_space<vmem>>
      %dma_wait3A_152 = arith.constant 0 : i32
      %dma_wait3A_153 = arith.constant 0 : i32
      %dma_wait3A_154 = tpu.memref_slice %arg2[%dma_wait3A_152, %dma_wait3A_153] : memref<1000000x128xf32, #tpu.memory_space<hbm>> -> memref<128x128xf32, #tpu.memory_space<hbm>>
      %dma_wait3A_155 = tpu.memref_slice %arg7[%dma_wait3A_147] : memref<4x!tpu.dma_semaphore, #tpu.memory_space<semaphore_mem>> -> memref<1x!tpu.dma_semaphore, #tpu.memory_space<semaphore_mem>>
      %dma_wait3A_156 = tpu.memref_squeeze %dma_wait3A_155 : memref<1x!tpu.dma_semaphore, #tpu.memory_space<semaphore_mem>> -> memref<!tpu.dma_semaphore, #tpu.memory_space<semaphore_mem>>
      %dma_wait3A_157 = arith.constant 0 : i32
      %dma_wait3A_158 = arith.constant 0 : i32
      %dma_wait3A_159 = tpu.memref_slice %arg6[%dma_wait3A_146, %dma_wait3A_157, %dma_wait3A_158] : memref<4x128x128xf32, #tpu.memory_space<vmem>> -> memref<1x128x128xf32, #tpu.memory_space<vmem>>
      %dma_wait3A_160 = tpu.memref_squeeze %dma_wait3A_159 : memref<1x128x128xf32, #tpu.memory_space<vmem>> -> memref<128x128xf32, #tpu.memory_space<vmem>>
      %dma_wait3A_161 = arith.constant 0 : i32
      %dma_wait3A_162 = arith.constant 0 : i32
      %dma_wait3A_163 = tpu.memref_slice %arg2[%dma_wait3A_161, %dma_wait3A_162] : memref<1000000x128xf32, #tpu.memory_space<hbm>> -> memref<128x128xf32, #tpu.memory_space<hbm>>
      tpu.wait_dma2 semaphore(%dma_wait3A_156 : memref<!tpu.dma_semaphore, #tpu.memory_space<semaphore_mem>>) src(%dma_wait3A_163 : memref<128x128xf32, #tpu.memory_space<hbm>>) dst(%dma_wait3A_160 : memref<128x128xf32, #tpu.memory_space<vmem>>)
      %mul3A_164 = arith.constant 128 : i32
      %mul3A_165 = arith.muli %add3A_145, %mul3A_164 : i32
      %add3A_166 = arith.addi %mul3A_2, %mul3A_165 : i32
      %multiple_of3A_167 = tpu.assume_multiple %add3A_166, 128 : i32
      %dma_start3A_168 = arith.constant 0 : i32
      %dma_start3A_169 = arith.constant 0 : i32
      %dma_start3A_170 = arith.constant 0 : i32
      %dma_start3A_171 = arith.constant 0 : i32
      %dma_start3A_172 = tpu.memref_slice %arg6[%dma_start3A_168, %dma_start3A_170, %dma_start3A_171] : memref<4x128x128xf32, #tpu.memory_space<vmem>> -> memref<1x128x64xf32, #tpu.memory_space<vmem>>
      %dma_start3A_173 = tpu.memref_squeeze %dma_start3A_172 : memref<1x128x64xf32, #tpu.memory_space<vmem>> -> memref<128x64xf32, #tpu.memory_space<vmem>>
      %dma_start3A_174 = arith.constant 0 : i32
      %dma_start3A_175 = tpu.memref_slice %arg4[%multiple_of3A_167, %dma_start3A_174] : memref<819200x128xf32, #tpu.memory_space<hbm>> -> memref<128x64xf32, #tpu.memory_space<hbm>>
      %dma_start3A_176 = tpu.memref_slice %arg8[%dma_start3A_169] : memref<4x!tpu.dma_semaphore, #tpu.memory_space<semaphore_mem>> -> memref<1x!tpu.dma_semaphore, #tpu.memory_space<semaphore_mem>>
      %dma_start3A_177 = tpu.memref_squeeze %dma_start3A_176 : memref<1x!tpu.dma_semaphore, #tpu.memory_space<semaphore_mem>> -> memref<!tpu.dma_semaphore, #tpu.memory_space<semaphore_mem>>
      %dma_start3A_178 = arith.constant 0 : i32
      %dma_start3A_179 = tpu.memref_slice %arg4[%multiple_of3A_167, %dma_start3A_178] : memref<819200x128xf32, #tpu.memory_space<hbm>> -> memref<128x64xf32, #tpu.memory_space<hbm>>
      %dma_start3A_180 = arith.constant 0 : i32
      %dma_start3A_181 = arith.constant 0 : i32
      %dma_start3A_182 = tpu.memref_slice %arg6[%dma_start3A_168, %dma_start3A_180, %dma_start3A_181] : memref<4x128x128xf32, #tpu.memory_space<vmem>> -> memref<1x128x64xf32, #tpu.memory_space<vmem>>
      %dma_start3A_183 = tpu.memref_squeeze %dma_start3A_182 : memref<1x128x64xf32, #tpu.memory_space<vmem>> -> memref<128x64xf32, #tpu.memory_space<vmem>>
      tpu.enqueue_dma source(%dma_start3A_183 : memref<128x64xf32, #tpu.memory_space<vmem>>) target(%dma_start3A_179 : memref<128x64xf32, #tpu.memory_space<hbm>>) target_semaphore(%dma_start3A_177 : memref<!tpu.dma_semaphore, #tpu.memory_space<semaphore_mem>>)
      %add3A_184 = arith.constant 4 : i32
      %add3A_185 = arith.addi %add3A_145, %add3A_184 : i32
      %lt3A = arith.constant 200 : i32
      %lt3A_186 = arith.cmpi slt, %add3A_185, %lt3A : i32
      %convert_element_type3A = arith.extui %lt3A_186 : i1 to i32
      %cond3A = arith.constant 0 : i32
      %cond3A_187 = arith.cmpi ne, %convert_element_type3A, %cond3A : i32
      scf.if %cond3A_187 {
        %dma_wait3A_329 = arith.constant 0 : i32
        %dma_wait3A_330 = arith.constant 0 : i32
        %dma_wait3A_331 = arith.constant 0 : i32
        %dma_wait3A_332 = arith.constant 0 : i32
        %dma_wait3A_333 = tpu.memref_slice %arg6[%dma_wait3A_329, %dma_wait3A_331, %dma_wait3A_332] : memref<4x128x128xf32, #tpu.memory_space<vmem>> -> memref<1x128x64xf32, #tpu.memory_space<vmem>>
        %dma_wait3A_334 = tpu.memref_squeeze %dma_wait3A_333 : memref<1x128x64xf32, #tpu.memory_space<vmem>> -> memref<128x64xf32, #tpu.memory_space<vmem>>
        %dma_wait3A_335 = arith.constant 0 : i32
        %dma_wait3A_336 = arith.constant 0 : i32
        %dma_wait3A_337 = tpu.memref_slice %arg2[%dma_wait3A_335, %dma_wait3A_336] : memref<1000000x128xf32, #tpu.memory_space<hbm>> -> memref<128x64xf32, #tpu.memory_space<hbm>>
        %dma_wait3A_338 = tpu.memref_slice %arg8[%dma_wait3A_330] : memref<4x!tpu.dma_semaphore, #tpu.memory_space<semaphore_mem>> -> memref<1x!tpu.dma_semaphore, #tpu.memory_space<semaphore_mem>>
        %dma_wait3A_339 = tpu.memref_squeeze %dma_wait3A_338 : memref<1x!tpu.dma_semaphore, #tpu.memory_space<semaphore_mem>> -> memref<!tpu.dma_semaphore, #tpu.memory_space<semaphore_mem>>
        %dma_wait3A_340 = arith.constant 0 : i32
        %dma_wait3A_341 = arith.constant 0 : i32
        %dma_wait3A_342 = tpu.memref_slice %arg6[%dma_wait3A_329, %dma_wait3A_340, %dma_wait3A_341] : memref<4x128x128xf32, #tpu.memory_space<vmem>> -> memref<1x128x64xf32, #tpu.memory_space<vmem>>
        %dma_wait3A_343 = tpu.memref_squeeze %dma_wait3A_342 : memref<1x128x64xf32, #tpu.memory_space<vmem>> -> memref<128x64xf32, #tpu.memory_space<vmem>>
        %dma_wait3A_344 = arith.constant 0 : i32
        %dma_wait3A_345 = arith.constant 0 : i32
        %dma_wait3A_346 = tpu.memref_slice %arg2[%dma_wait3A_344, %dma_wait3A_345] : memref<1000000x128xf32, #tpu.memory_space<hbm>> -> memref<128x64xf32, #tpu.memory_space<hbm>>
        tpu.wait_dma2 semaphore(%dma_wait3A_339 : memref<!tpu.dma_semaphore, #tpu.memory_space<semaphore_mem>>) src(%dma_wait3A_346 : memref<128x64xf32, #tpu.memory_space<hbm>>) dst(%dma_wait3A_343 : memref<128x64xf32, #tpu.memory_space<vmem>>)
        %add3A_347 = arith.constant 4 : i32
        %add3A_348 = arith.addi %add3A_145, %add3A_347 : i32
        %dma_start3A_349 = arith.constant 0 : i32
        %dma_start3A_350 = arith.constant 0 : i32
        %dma_start3A_351 = arith.constant 0 : i32
        %dma_start3A_352 = arith.constant 0 : i32
        %dma_start3A_353 = tpu.memref_slice %arg6[%dma_start3A_349, %dma_start3A_351, %dma_start3A_352] : memref<4x128x128xf32, #tpu.memory_space<vmem>> -> memref<1x128x128xf32, #tpu.memory_space<vmem>>
        %dma_start3A_354 = tpu.memref_squeeze %dma_start3A_353 : memref<1x128x128xf32, #tpu.memory_space<vmem>> -> memref<128x128xf32, #tpu.memory_space<vmem>>
        %dma_start3A_355 = arith.constant 0 : i32
        %dma_start3A_356 = tpu.memref_slice %arg5[%add3A_348, %dma_start3A_355] : memref<200x128xi32, #tpu.memory_space<vmem>> -> memref<1x128xi32, #tpu.memory_space<vmem>>
        %dma_start3A_357 = tpu.memref_squeeze %dma_start3A_356 : memref<1x128xi32, #tpu.memory_space<vmem>> -> memref<128xi32, #tpu.memory_space<vmem>>
        %dma_start3A_358 = arith.constant 0 : i32
        %dma_start3A_359 = arith.constant 0 : i32
        %dma_start3A_360 = tpu.memref_slice %arg2[%dma_start3A_358, %dma_start3A_359] : memref<1000000x128xf32, #tpu.memory_space<hbm>> -> memref<1000000x128xf32, #tpu.memory_space<hbm>>
        %dma_start3A_361 = tpu.memref_slice %arg7[%dma_start3A_350] : memref<4x!tpu.dma_semaphore, #tpu.memory_space<semaphore_mem>> -> memref<1x!tpu.dma_semaphore, #tpu.memory_space<semaphore_mem>>
        %dma_start3A_362 = tpu.memref_squeeze %dma_start3A_361 : memref<1x!tpu.dma_semaphore, #tpu.memory_space<semaphore_mem>> -> memref<!tpu.dma_semaphore, #tpu.memory_space<semaphore_mem>>
        tpu.enqueue_indirect_dma source(%dma_start3A_360 : memref<1000000x128xf32, #tpu.memory_space<hbm>>) target(%dma_start3A_354 : memref<128x128xf32, #tpu.memory_space<vmem>>) offsets(%dma_start3A_357 : memref<128xi32, #tpu.memory_space<vmem>>) semaphore(%dma_start3A_362 : memref<!tpu.dma_semaphore, #tpu.memory_space<semaphore_mem>>)
      } else {
      }
      %add3A_188 = arith.constant 1 : i32
      %add3A_189 = arith.addi %add3A_143, %add3A_188 : i32
      %dma_wait3A_190 = arith.constant 1 : i32
      %dma_wait3A_191 = arith.constant 1 : i32
      %dma_wait3A_192 = arith.constant 0 : i32
      %dma_wait3A_193 = arith.constant 0 : i32
      %dma_wait3A_194 = tpu.memref_slice %arg6[%dma_wait3A_190, %dma_wait3A_192, %dma_wait3A_193] : memref<4x128x128xf32, #tpu.memory_space<vmem>> -> memref<1x128x128xf32, #tpu.memory_space<vmem>>
      %dma_wait3A_195 = tpu.memref_squeeze %dma_wait3A_194 : memref<1x128x128xf32, #tpu.memory_space<vmem>> -> memref<128x128xf32, #tpu.memory_space<vmem>>
      %dma_wait3A_196 = arith.constant 0 : i32
      %dma_wait3A_197 = arith.constant 0 : i32
      %dma_wait3A_198 = tpu.memref_slice %arg2[%dma_wait3A_196, %dma_wait3A_197] : memref<1000000x128xf32, #tpu.memory_space<hbm>> -> memref<128x128xf32, #tpu.memory_space<hbm>>
      %dma_wait3A_199 = tpu.memref_slice %arg7[%dma_wait3A_191] : memref<4x!tpu.dma_semaphore, #tpu.memory_space<semaphore_mem>> -> memref<1x!tpu.dma_semaphore, #tpu.memory_space<semaphore_mem>>
      %dma_wait3A_200 = tpu.memref_squeeze %dma_wait3A_199 : memref<1x!tpu.dma_semaphore, #tpu.memory_space<semaphore_mem>> -> memref<!tpu.dma_semaphore, #tpu.memory_space<semaphore_mem>>
      %dma_wait3A_201 = arith.constant 0 : i32
      %dma_wait3A_202 = arith.constant 0 : i32
      %dma_wait3A_203 = tpu.memref_slice %arg6[%dma_wait3A_190, %dma_wait3A_201, %dma_wait3A_202] : memref<4x128x128xf32, #tpu.memory_space<vmem>> -> memref<1x128x128xf32, #tpu.memory_space<vmem>>
      %dma_wait3A_204 = tpu.memref_squeeze %dma_wait3A_203 : memref<1x128x128xf32, #tpu.memory_space<vmem>> -> memref<128x128xf32, #tpu.memory_space<vmem>>
      %dma_wait3A_205 = arith.constant 0 : i32
      %dma_wait3A_206 = arith.constant 0 : i32
      %dma_wait3A_207 = tpu.memref_slice %arg2[%dma_wait3A_205, %dma_wait3A_206] : memref<1000000x128xf32, #tpu.memory_space<hbm>> -> memref<128x128xf32, #tpu.memory_space<hbm>>
      tpu.wait_dma2 semaphore(%dma_wait3A_200 : memref<!tpu.dma_semaphore, #tpu.memory_space<semaphore_mem>>) src(%dma_wait3A_207 : memref<128x128xf32, #tpu.memory_space<hbm>>) dst(%dma_wait3A_204 : memref<128x128xf32, #tpu.memory_space<vmem>>)
      %mul3A_208 = arith.constant 128 : i32
      %mul3A_209 = arith.muli %add3A_189, %mul3A_208 : i32
      %add3A_210 = arith.addi %mul3A_2, %mul3A_209 : i32
      %multiple_of3A_211 = tpu.assume_multiple %add3A_210, 128 : i32
      %dma_start3A_212 = arith.constant 1 : i32
      %dma_start3A_213 = arith.constant 1 : i32
      %dma_start3A_214 = arith.constant 0 : i32
      %dma_start3A_215 = arith.constant 0 : i32
      %dma_start3A_216 = tpu.memref_slice %arg6[%dma_start3A_212, %dma_start3A_214, %dma_start3A_215] : memref<4x128x128xf32, #tpu.memory_space<vmem>> -> memref<1x128x64xf32, #tpu.memory_space<vmem>>
      %dma_start3A_217 = tpu.memref_squeeze %dma_start3A_216 : memref<1x128x64xf32, #tpu.memory_space<vmem>> -> memref<128x64xf32, #tpu.memory_space<vmem>>
      %dma_start3A_218 = arith.constant 0 : i32
      %dma_start3A_219 = tpu.memref_slice %arg4[%multiple_of3A_211, %dma_start3A_218] : memref<819200x128xf32, #tpu.memory_space<hbm>> -> memref<128x64xf32, #tpu.memory_space<hbm>>
      %dma_start3A_220 = tpu.memref_slice %arg8[%dma_start3A_213] : memref<4x!tpu.dma_semaphore, #tpu.memory_space<semaphore_mem>> -> memref<1x!tpu.dma_semaphore, #tpu.memory_space<semaphore_mem>>
      %dma_start3A_221 = tpu.memref_squeeze %dma_start3A_220 : memref<1x!tpu.dma_semaphore, #tpu.memory_space<semaphore_mem>> -> memref<!tpu.dma_semaphore, #tpu.memory_space<semaphore_mem>>
      %dma_start3A_222 = arith.constant 0 : i32
      %dma_start3A_223 = tpu.memref_slice %arg4[%multiple_of3A_211, %dma_start3A_222] : memref<819200x128xf32, #tpu.memory_space<hbm>> -> memref<128x64xf32, #tpu.memory_space<hbm>>
      %dma_start3A_224 = arith.constant 0 : i32
      %dma_start3A_225 = arith.constant 0 : i32
      %dma_start3A_226 = tpu.memref_slice %arg6[%dma_start3A_212, %dma_start3A_224, %dma_start3A_225] : memref<4x128x128xf32, #tpu.memory_space<vmem>> -> memref<1x128x64xf32, #tpu.memory_space<vmem>>
      %dma_start3A_227 = tpu.memref_squeeze %dma_start3A_226 : memref<1x128x64xf32, #tpu.memory_space<vmem>> -> memref<128x64xf32, #tpu.memory_space<vmem>>
      tpu.enqueue_dma source(%dma_start3A_227 : memref<128x64xf32, #tpu.memory_space<vmem>>) target(%dma_start3A_223 : memref<128x64xf32, #tpu.memory_space<hbm>>) target_semaphore(%dma_start3A_221 : memref<!tpu.dma_semaphore, #tpu.memory_space<semaphore_mem>>)
      %add3A_228 = arith.constant 4 : i32
      %add3A_229 = arith.addi %add3A_189, %add3A_228 : i32
      %lt3A_230 = arith.constant 200 : i32
      %lt3A_231 = arith.cmpi slt, %add3A_229, %lt3A_230 : i32
      %convert_element_type3A_232 = arith.extui %lt3A_231 : i1 to i32
      %cond3A_233 = arith.constant 0 : i32
      %cond3A_234 = arith.cmpi ne, %convert_element_type3A_232, %cond3A_233 : i32
      scf.if %cond3A_234 {
        %dma_wait3A_329 = arith.constant 1 : i32
        %dma_wait3A_330 = arith.constant 1 : i32
        %dma_wait3A_331 = arith.constant 0 : i32
        %dma_wait3A_332 = arith.constant 0 : i32
        %dma_wait3A_333 = tpu.memref_slice %arg6[%dma_wait3A_329, %dma_wait3A_331, %dma_wait3A_332] : memref<4x128x128xf32, #tpu.memory_space<vmem>> -> memref<1x128x64xf32, #tpu.memory_space<vmem>>
        %dma_wait3A_334 = tpu.memref_squeeze %dma_wait3A_333 : memref<1x128x64xf32, #tpu.memory_space<vmem>> -> memref<128x64xf32, #tpu.memory_space<vmem>>
        %dma_wait3A_335 = arith.constant 0 : i32
        %dma_wait3A_336 = arith.constant 0 : i32
        %dma_wait3A_337 = tpu.memref_slice %arg2[%dma_wait3A_335, %dma_wait3A_336] : memref<1000000x128xf32, #tpu.memory_space<hbm>> -> memref<128x64xf32, #tpu.memory_space<hbm>>
        %dma_wait3A_338 = tpu.memref_slice %arg8[%dma_wait3A_330] : memref<4x!tpu.dma_semaphore, #tpu.memory_space<semaphore_mem>> -> memref<1x!tpu.dma_semaphore, #tpu.memory_space<semaphore_mem>>
        %dma_wait3A_339 = tpu.memref_squeeze %dma_wait3A_338 : memref<1x!tpu.dma_semaphore, #tpu.memory_space<semaphore_mem>> -> memref<!tpu.dma_semaphore, #tpu.memory_space<semaphore_mem>>
        %dma_wait3A_340 = arith.constant 0 : i32
        %dma_wait3A_341 = arith.constant 0 : i32
        %dma_wait3A_342 = tpu.memref_slice %arg6[%dma_wait3A_329, %dma_wait3A_340, %dma_wait3A_341] : memref<4x128x128xf32, #tpu.memory_space<vmem>> -> memref<1x128x64xf32, #tpu.memory_space<vmem>>
        %dma_wait3A_343 = tpu.memref_squeeze %dma_wait3A_342 : memref<1x128x64xf32, #tpu.memory_space<vmem>> -> memref<128x64xf32, #tpu.memory_space<vmem>>
        %dma_wait3A_344 = arith.constant 0 : i32
        %dma_wait3A_345 = arith.constant 0 : i32
        %dma_wait3A_346 = tpu.memref_slice %arg2[%dma_wait3A_344, %dma_wait3A_345] : memref<1000000x128xf32, #tpu.memory_space<hbm>> -> memref<128x64xf32, #tpu.memory_space<hbm>>
        tpu.wait_dma2 semaphore(%dma_wait3A_339 : memref<!tpu.dma_semaphore, #tpu.memory_space<semaphore_mem>>) src(%dma_wait3A_346 : memref<128x64xf32, #tpu.memory_space<hbm>>) dst(%dma_wait3A_343 : memref<128x64xf32, #tpu.memory_space<vmem>>)
        %add3A_347 = arith.constant 4 : i32
        %add3A_348 = arith.addi %add3A_189, %add3A_347 : i32
        %dma_start3A_349 = arith.constant 1 : i32
        %dma_start3A_350 = arith.constant 1 : i32
        %dma_start3A_351 = arith.constant 0 : i32
        %dma_start3A_352 = arith.constant 0 : i32
        %dma_start3A_353 = tpu.memref_slice %arg6[%dma_start3A_349, %dma_start3A_351, %dma_start3A_352] : memref<4x128x128xf32, #tpu.memory_space<vmem>> -> memref<1x128x128xf32, #tpu.memory_space<vmem>>
        %dma_start3A_354 = tpu.memref_squeeze %dma_start3A_353 : memref<1x128x128xf32, #tpu.memory_space<vmem>> -> memref<128x128xf32, #tpu.memory_space<vmem>>
        %dma_start3A_355 = arith.constant 0 : i32
        %dma_start3A_356 = tpu.memref_slice %arg5[%add3A_348, %dma_start3A_355] : memref<200x128xi32, #tpu.memory_space<vmem>> -> memref<1x128xi32, #tpu.memory_space<vmem>>
        %dma_start3A_357 = tpu.memref_squeeze %dma_start3A_356 : memref<1x128xi32, #tpu.memory_space<vmem>> -> memref<128xi32, #tpu.memory_space<vmem>>
        %dma_start3A_358 = arith.constant 0 : i32
        %dma_start3A_359 = arith.constant 0 : i32
        %dma_start3A_360 = tpu.memref_slice %arg2[%dma_start3A_358, %dma_start3A_359] : memref<1000000x128xf32, #tpu.memory_space<hbm>> -> memref<1000000x128xf32, #tpu.memory_space<hbm>>
        %dma_start3A_361 = tpu.memref_slice %arg7[%dma_start3A_350] : memref<4x!tpu.dma_semaphore, #tpu.memory_space<semaphore_mem>> -> memref<1x!tpu.dma_semaphore, #tpu.memory_space<semaphore_mem>>
        %dma_start3A_362 = tpu.memref_squeeze %dma_start3A_361 : memref<1x!tpu.dma_semaphore, #tpu.memory_space<semaphore_mem>> -> memref<!tpu.dma_semaphore, #tpu.memory_space<semaphore_mem>>
        tpu.enqueue_indirect_dma source(%dma_start3A_360 : memref<1000000x128xf32, #tpu.memory_space<hbm>>) target(%dma_start3A_354 : memref<128x128xf32, #tpu.memory_space<vmem>>) offsets(%dma_start3A_357 : memref<128xi32, #tpu.memory_space<vmem>>) semaphore(%dma_start3A_362 : memref<!tpu.dma_semaphore, #tpu.memory_space<semaphore_mem>>)
      } else {
      }
      %add3A_235 = arith.constant 2 : i32
      %add3A_236 = arith.addi %add3A_143, %add3A_235 : i32
      %dma_wait3A_237 = arith.constant 2 : i32
      %dma_wait3A_238 = arith.constant 2 : i32
      %dma_wait3A_239 = arith.constant 0 : i32
      %dma_wait3A_240 = arith.constant 0 : i32
      %dma_wait3A_241 = tpu.memref_slice %arg6[%dma_wait3A_237, %dma_wait3A_239, %dma_wait3A_240] : memref<4x128x128xf32, #tpu.memory_space<vmem>> -> memref<1x128x128xf32, #tpu.memory_space<vmem>>
      %dma_wait3A_242 = tpu.memref_squeeze %dma_wait3A_241 : memref<1x128x128xf32, #tpu.memory_space<vmem>> -> memref<128x128xf32, #tpu.memory_space<vmem>>
      %dma_wait3A_243 = arith.constant 0 : i32
      %dma_wait3A_244 = arith.constant 0 : i32
      %dma_wait3A_245 = tpu.memref_slice %arg2[%dma_wait3A_243, %dma_wait3A_244] : memref<1000000x128xf32, #tpu.memory_space<hbm>> -> memref<128x128xf32, #tpu.memory_space<hbm>>
      %dma_wait3A_246 = tpu.memref_slice %arg7[%dma_wait3A_238] : memref<4x!tpu.dma_semaphore, #tpu.memory_space<semaphore_mem>> -> memref<1x!tpu.dma_semaphore, #tpu.memory_space<semaphore_mem>>
      %dma_wait3A_247 = tpu.memref_squeeze %dma_wait3A_246 : memref<1x!tpu.dma_semaphore, #tpu.memory_space<semaphore_mem>> -> memref<!tpu.dma_semaphore, #tpu.memory_space<semaphore_mem>>
      %dma_wait3A_248 = arith.constant 0 : i32
      %dma_wait3A_249 = arith.constant 0 : i32
      %dma_wait3A_250 = tpu.memref_slice %arg6[%dma_wait3A_237, %dma_wait3A_248, %dma_wait3A_249] : memref<4x128x128xf32, #tpu.memory_space<vmem>> -> memref<1x128x128xf32, #tpu.memory_space<vmem>>
      %dma_wait3A_251 = tpu.memref_squeeze %dma_wait3A_250 : memref<1x128x128xf32, #tpu.memory_space<vmem>> -> memref<128x128xf32, #tpu.memory_space<vmem>>
      %dma_wait3A_252 = arith.constant 0 : i32
      %dma_wait3A_253 = arith.constant 0 : i32
      %dma_wait3A_254 = tpu.memref_slice %arg2[%dma_wait3A_252, %dma_wait3A_253] : memref<1000000x128xf32, #tpu.memory_space<hbm>> -> memref<128x128xf32, #tpu.memory_space<hbm>>
      tpu.wait_dma2 semaphore(%dma_wait3A_247 : memref<!tpu.dma_semaphore, #tpu.memory_space<semaphore_mem>>) src(%dma_wait3A_254 : memref<128x128xf32, #tpu.memory_space<hbm>>) dst(%dma_wait3A_251 : memref<128x128xf32, #tpu.memory_space<vmem>>)
      %mul3A_255 = arith.constant 128 : i32
      %mul3A_256 = arith.muli %add3A_236, %mul3A_255 : i32
      %add3A_257 = arith.addi %mul3A_2, %mul3A_256 : i32
      %multiple_of3A_258 = tpu.assume_multiple %add3A_257, 128 : i32
      %dma_start3A_259 = arith.constant 2 : i32
      %dma_start3A_260 = arith.constant 2 : i32
      %dma_start3A_261 = arith.constant 0 : i32
      %dma_start3A_262 = arith.constant 0 : i32
      %dma_start3A_263 = tpu.memref_slice %arg6[%dma_start3A_259, %dma_start3A_261, %dma_start3A_262] : memref<4x128x128xf32, #tpu.memory_space<vmem>> -> memref<1x128x64xf32, #tpu.memory_space<vmem>>
      %dma_start3A_264 = tpu.memref_squeeze %dma_start3A_263 : memref<1x128x64xf32, #tpu.memory_space<vmem>> -> memref<128x64xf32, #tpu.memory_space<vmem>>
      %dma_start3A_265 = arith.constant 0 : i32
      %dma_start3A_266 = tpu.memref_slice %arg4[%multiple_of3A_258, %dma_start3A_265] : memref<819200x128xf32, #tpu.memory_space<hbm>> -> memref<128x64xf32, #tpu.memory_space<hbm>>
      %dma_start3A_267 = tpu.memref_slice %arg8[%dma_start3A_260] : memref<4x!tpu.dma_semaphore, #tpu.memory_space<semaphore_mem>> -> memref<1x!tpu.dma_semaphore, #tpu.memory_space<semaphore_mem>>
      %dma_start3A_268 = tpu.memref_squeeze %dma_start3A_267 : memref<1x!tpu.dma_semaphore, #tpu.memory_space<semaphore_mem>> -> memref<!tpu.dma_semaphore, #tpu.memory_space<semaphore_mem>>
      %dma_start3A_269 = arith.constant 0 : i32
      %dma_start3A_270 = tpu.memref_slice %arg4[%multiple_of3A_258, %dma_start3A_269] : memref<819200x128xf32, #tpu.memory_space<hbm>> -> memref<128x64xf32, #tpu.memory_space<hbm>>
      %dma_start3A_271 = arith.constant 0 : i32
      %dma_start3A_272 = arith.constant 0 : i32
      %dma_start3A_273 = tpu.memref_slice %arg6[%dma_start3A_259, %dma_start3A_271, %dma_start3A_272] : memref<4x128x128xf32, #tpu.memory_space<vmem>> -> memref<1x128x64xf32, #tpu.memory_space<vmem>>
      %dma_start3A_274 = tpu.memref_squeeze %dma_start3A_273 : memref<1x128x64xf32, #tpu.memory_space<vmem>> -> memref<128x64xf32, #tpu.memory_space<vmem>>
      tpu.enqueue_dma source(%dma_start3A_274 : memref<128x64xf32, #tpu.memory_space<vmem>>) target(%dma_start3A_270 : memref<128x64xf32, #tpu.memory_space<hbm>>) target_semaphore(%dma_start3A_268 : memref<!tpu.dma_semaphore, #tpu.memory_space<semaphore_mem>>)
      %add3A_275 = arith.constant 4 : i32
      %add3A_276 = arith.addi %add3A_236, %add3A_275 : i32
      %lt3A_277 = arith.constant 200 : i32
      %lt3A_278 = arith.cmpi slt, %add3A_276, %lt3A_277 : i32
      %convert_element_type3A_279 = arith.extui %lt3A_278 : i1 to i32
      %cond3A_280 = arith.constant 0 : i32
      %cond3A_281 = arith.cmpi ne, %convert_element_type3A_279, %cond3A_280 : i32
      scf.if %cond3A_281 {
        %dma_wait3A_329 = arith.constant 2 : i32
        %dma_wait3A_330 = arith.constant 2 : i32
        %dma_wait3A_331 = arith.constant 0 : i32
        %dma_wait3A_332 = arith.constant 0 : i32
        %dma_wait3A_333 = tpu.memref_slice %arg6[%dma_wait3A_329, %dma_wait3A_331, %dma_wait3A_332] : memref<4x128x128xf32, #tpu.memory_space<vmem>> -> memref<1x128x64xf32, #tpu.memory_space<vmem>>
        %dma_wait3A_334 = tpu.memref_squeeze %dma_wait3A_333 : memref<1x128x64xf32, #tpu.memory_space<vmem>> -> memref<128x64xf32, #tpu.memory_space<vmem>>
        %dma_wait3A_335 = arith.constant 0 : i32
        %dma_wait3A_336 = arith.constant 0 : i32
        %dma_wait3A_337 = tpu.memref_slice %arg2[%dma_wait3A_335, %dma_wait3A_336] : memref<1000000x128xf32, #tpu.memory_space<hbm>> -> memref<128x64xf32, #tpu.memory_space<hbm>>
        %dma_wait3A_338 = tpu.memref_slice %arg8[%dma_wait3A_330] : memref<4x!tpu.dma_semaphore, #tpu.memory_space<semaphore_mem>> -> memref<1x!tpu.dma_semaphore, #tpu.memory_space<semaphore_mem>>
        %dma_wait3A_339 = tpu.memref_squeeze %dma_wait3A_338 : memref<1x!tpu.dma_semaphore, #tpu.memory_space<semaphore_mem>> -> memref<!tpu.dma_semaphore, #tpu.memory_space<semaphore_mem>>
        %dma_wait3A_340 = arith.constant 0 : i32
        %dma_wait3A_341 = arith.constant 0 : i32
        %dma_wait3A_342 = tpu.memref_slice %arg6[%dma_wait3A_329, %dma_wait3A_340, %dma_wait3A_341] : memref<4x128x128xf32, #tpu.memory_space<vmem>> -> memref<1x128x64xf32, #tpu.memory_space<vmem>>
        %dma_wait3A_343 = tpu.memref_squeeze %dma_wait3A_342 : memref<1x128x64xf32, #tpu.memory_space<vmem>> -> memref<128x64xf32, #tpu.memory_space<vmem>>
        %dma_wait3A_344 = arith.constant 0 : i32
        %dma_wait3A_345 = arith.constant 0 : i32
        %dma_wait3A_346 = tpu.memref_slice %arg2[%dma_wait3A_344, %dma_wait3A_345] : memref<1000000x128xf32, #tpu.memory_space<hbm>> -> memref<128x64xf32, #tpu.memory_space<hbm>>
        tpu.wait_dma2 semaphore(%dma_wait3A_339 : memref<!tpu.dma_semaphore, #tpu.memory_space<semaphore_mem>>) src(%dma_wait3A_346 : memref<128x64xf32, #tpu.memory_space<hbm>>) dst(%dma_wait3A_343 : memref<128x64xf32, #tpu.memory_space<vmem>>)
        %add3A_347 = arith.constant 4 : i32
        %add3A_348 = arith.addi %add3A_236, %add3A_347 : i32
        %dma_start3A_349 = arith.constant 2 : i32
        %dma_start3A_350 = arith.constant 2 : i32
        %dma_start3A_351 = arith.constant 0 : i32
        %dma_start3A_352 = arith.constant 0 : i32
        %dma_start3A_353 = tpu.memref_slice %arg6[%dma_start3A_349, %dma_start3A_351, %dma_start3A_352] : memref<4x128x128xf32, #tpu.memory_space<vmem>> -> memref<1x128x128xf32, #tpu.memory_space<vmem>>
        %dma_start3A_354 = tpu.memref_squeeze %dma_start3A_353 : memref<1x128x128xf32, #tpu.memory_space<vmem>> -> memref<128x128xf32, #tpu.memory_space<vmem>>
        %dma_start3A_355 = arith.constant 0 : i32
        %dma_start3A_356 = tpu.memref_slice %arg5[%add3A_348, %dma_start3A_355] : memref<200x128xi32, #tpu.memory_space<vmem>> -> memref<1x128xi32, #tpu.memory_space<vmem>>
        %dma_start3A_357 = tpu.memref_squeeze %dma_start3A_356 : memref<1x128xi32, #tpu.memory_space<vmem>> -> memref<128xi32, #tpu.memory_space<vmem>>
        %dma_start3A_358 = arith.constant 0 : i32
        %dma_start3A_359 = arith.constant 0 : i32
        %dma_start3A_360 = tpu.memref_slice %arg2[%dma_start3A_358, %dma_start3A_359] : memref<1000000x128xf32, #tpu.memory_space<hbm>> -> memref<1000000x128xf32, #tpu.memory_space<hbm>>
        %dma_start3A_361 = tpu.memref_slice %arg7[%dma_start3A_350] : memref<4x!tpu.dma_semaphore, #tpu.memory_space<semaphore_mem>> -> memref<1x!tpu.dma_semaphore, #tpu.memory_space<semaphore_mem>>
        %dma_start3A_362 = tpu.memref_squeeze %dma_start3A_361 : memref<1x!tpu.dma_semaphore, #tpu.memory_space<semaphore_mem>> -> memref<!tpu.dma_semaphore, #tpu.memory_space<semaphore_mem>>
        tpu.enqueue_indirect_dma source(%dma_start3A_360 : memref<1000000x128xf32, #tpu.memory_space<hbm>>) target(%dma_start3A_354 : memref<128x128xf32, #tpu.memory_space<vmem>>) offsets(%dma_start3A_357 : memref<128xi32, #tpu.memory_space<vmem>>) semaphore(%dma_start3A_362 : memref<!tpu.dma_semaphore, #tpu.memory_space<semaphore_mem>>)
      } else {
      }
      %add3A_282 = arith.constant 3 : i32
      %add3A_283 = arith.addi %add3A_143, %add3A_282 : i32
      %dma_wait3A_284 = arith.constant 3 : i32
      %dma_wait3A_285 = arith.constant 3 : i32
      %dma_wait3A_286 = arith.constant 0 : i32
      %dma_wait3A_287 = arith.constant 0 : i32
      %dma_wait3A_288 = tpu.memref_slice %arg6[%dma_wait3A_284, %dma_wait3A_286, %dma_wait3A_287] : memref<4x128x128xf32, #tpu.memory_space<vmem>> -> memref<1x128x128xf32, #tpu.memory_space<vmem>>
      %dma_wait3A_289 = tpu.memref_squeeze %dma_wait3A_288 : memref<1x128x128xf32, #tpu.memory_space<vmem>> -> memref<128x128xf32, #tpu.memory_space<vmem>>
      %dma_wait3A_290 = arith.constant 0 : i32
      %dma_wait3A_291 = arith.constant 0 : i32
      %dma_wait3A_292 = tpu.memref_slice %arg2[%dma_wait3A_290, %dma_wait3A_291] : memref<1000000x128xf32, #tpu.memory_space<hbm>> -> memref<128x128xf32, #tpu.memory_space<hbm>>
      %dma_wait3A_293 = tpu.memref_slice %arg7[%dma_wait3A_285] : memref<4x!tpu.dma_semaphore, #tpu.memory_space<semaphore_mem>> -> memref<1x!tpu.dma_semaphore, #tpu.memory_space<semaphore_mem>>
      %dma_wait3A_294 = tpu.memref_squeeze %dma_wait3A_293 : memref<1x!tpu.dma_semaphore, #tpu.memory_space<semaphore_mem>> -> memref<!tpu.dma_semaphore, #tpu.memory_space<semaphore_mem>>
      %dma_wait3A_295 = arith.constant 0 : i32
      %dma_wait3A_296 = arith.constant 0 : i32
      %dma_wait3A_297 = tpu.memref_slice %arg6[%dma_wait3A_284, %dma_wait3A_295, %dma_wait3A_296] : memref<4x128x128xf32, #tpu.memory_space<vmem>> -> memref<1x128x128xf32, #tpu.memory_space<vmem>>
      %dma_wait3A_298 = tpu.memref_squeeze %dma_wait3A_297 : memref<1x128x128xf32, #tpu.memory_space<vmem>> -> memref<128x128xf32, #tpu.memory_space<vmem>>
      %dma_wait3A_299 = arith.constant 0 : i32
      %dma_wait3A_300 = arith.constant 0 : i32
      %dma_wait3A_301 = tpu.memref_slice %arg2[%dma_wait3A_299, %dma_wait3A_300] : memref<1000000x128xf32, #tpu.memory_space<hbm>> -> memref<128x128xf32, #tpu.memory_space<hbm>>
      tpu.wait_dma2 semaphore(%dma_wait3A_294 : memref<!tpu.dma_semaphore, #tpu.memory_space<semaphore_mem>>) src(%dma_wait3A_301 : memref<128x128xf32, #tpu.memory_space<hbm>>) dst(%dma_wait3A_298 : memref<128x128xf32, #tpu.memory_space<vmem>>)
      %mul3A_302 = arith.constant 128 : i32
      %mul3A_303 = arith.muli %add3A_283, %mul3A_302 : i32
      %add3A_304 = arith.addi %mul3A_2, %mul3A_303 : i32
      %multiple_of3A_305 = tpu.assume_multiple %add3A_304, 128 : i32
      %dma_start3A_306 = arith.constant 3 : i32
      %dma_start3A_307 = arith.constant 3 : i32
      %dma_start3A_308 = arith.constant 0 : i32
      %dma_start3A_309 = arith.constant 0 : i32
      %dma_start3A_310 = tpu.memref_slice %arg6[%dma_start3A_306, %dma_start3A_308, %dma_start3A_309] : memref<4x128x128xf32, #tpu.memory_space<vmem>> -> memref<1x128x64xf32, #tpu.memory_space<vmem>>
      %dma_start3A_311 = tpu.memref_squeeze %dma_start3A_310 : memref<1x128x64xf32, #tpu.memory_space<vmem>> -> memref<128x64xf32, #tpu.memory_space<vmem>>
      %dma_start3A_312 = arith.constant 0 : i32
      %dma_start3A_313 = tpu.memref_slice %arg4[%multiple_of3A_305, %dma_start3A_312] : memref<819200x128xf32, #tpu.memory_space<hbm>> -> memref<128x64xf32, #tpu.memory_space<hbm>>
      %dma_start3A_314 = tpu.memref_slice %arg8[%dma_start3A_307] : memref<4x!tpu.dma_semaphore, #tpu.memory_space<semaphore_mem>> -> memref<1x!tpu.dma_semaphore, #tpu.memory_space<semaphore_mem>>
      %dma_start3A_315 = tpu.memref_squeeze %dma_start3A_314 : memref<1x!tpu.dma_semaphore, #tpu.memory_space<semaphore_mem>> -> memref<!tpu.dma_semaphore, #tpu.memory_space<semaphore_mem>>
      %dma_start3A_316 = arith.constant 0 : i32
      %dma_start3A_317 = tpu.memref_slice %arg4[%multiple_of3A_305, %dma_start3A_316] : memref<819200x128xf32, #tpu.memory_space<hbm>> -> memref<128x64xf32, #tpu.memory_space<hbm>>
      %dma_start3A_318 = arith.constant 0 : i32
      %dma_start3A_319 = arith.constant 0 : i32
      %dma_start3A_320 = tpu.memref_slice %arg6[%dma_start3A_306, %dma_start3A_318, %dma_start3A_319] : memref<4x128x128xf32, #tpu.memory_space<vmem>> -> memref<1x128x64xf32, #tpu.memory_space<vmem>>
      %dma_start3A_321 = tpu.memref_squeeze %dma_start3A_320 : memref<1x128x64xf32, #tpu.memory_space<vmem>> -> memref<128x64xf32, #tpu.memory_space<vmem>>
      tpu.enqueue_dma source(%dma_start3A_321 : memref<128x64xf32, #tpu.memory_space<vmem>>) target(%dma_start3A_317 : memref<128x64xf32, #tpu.memory_space<hbm>>) target_semaphore(%dma_start3A_315 : memref<!tpu.dma_semaphore, #tpu.memory_space<semaphore_mem>>)
      %add3A_322 = arith.constant 4 : i32
      %add3A_323 = arith.addi %add3A_283, %add3A_322 : i32
      %lt3A_324 = arith.constant 200 : i32
      %lt3A_325 = arith.cmpi slt, %add3A_323, %lt3A_324 : i32
      %convert_element_type3A_326 = arith.extui %lt3A_325 : i1 to i32
      %cond3A_327 = arith.constant 0 : i32
      %cond3A_328 = arith.cmpi ne, %convert_element_type3A_326, %cond3A_327 : i32
      scf.if %cond3A_328 {
        %dma_wait3A_329 = arith.constant 3 : i32
        %dma_wait3A_330 = arith.constant 3 : i32
        %dma_wait3A_331 = arith.constant 0 : i32
        %dma_wait3A_332 = arith.constant 0 : i32
        %dma_wait3A_333 = tpu.memref_slice %arg6[%dma_wait3A_329, %dma_wait3A_331, %dma_wait3A_332] : memref<4x128x128xf32, #tpu.memory_space<vmem>> -> memref<1x128x64xf32, #tpu.memory_space<vmem>>
        %dma_wait3A_334 = tpu.memref_squeeze %dma_wait3A_333 : memref<1x128x64xf32, #tpu.memory_space<vmem>> -> memref<128x64xf32, #tpu.memory_space<vmem>>
        %dma_wait3A_335 = arith.constant 0 : i32
        %dma_wait3A_336 = arith.constant 0 : i32
        %dma_wait3A_337 = tpu.memref_slice %arg2[%dma_wait3A_335, %dma_wait3A_336] : memref<1000000x128xf32, #tpu.memory_space<hbm>> -> memref<128x64xf32, #tpu.memory_space<hbm>>
        %dma_wait3A_338 = tpu.memref_slice %arg8[%dma_wait3A_330] : memref<4x!tpu.dma_semaphore, #tpu.memory_space<semaphore_mem>> -> memref<1x!tpu.dma_semaphore, #tpu.memory_space<semaphore_mem>>
        %dma_wait3A_339 = tpu.memref_squeeze %dma_wait3A_338 : memref<1x!tpu.dma_semaphore, #tpu.memory_space<semaphore_mem>> -> memref<!tpu.dma_semaphore, #tpu.memory_space<semaphore_mem>>
        %dma_wait3A_340 = arith.constant 0 : i32
        %dma_wait3A_341 = arith.constant 0 : i32
        %dma_wait3A_342 = tpu.memref_slice %arg6[%dma_wait3A_329, %dma_wait3A_340, %dma_wait3A_341] : memref<4x128x128xf32, #tpu.memory_space<vmem>> -> memref<1x128x64xf32, #tpu.memory_space<vmem>>
        %dma_wait3A_343 = tpu.memref_squeeze %dma_wait3A_342 : memref<1x128x64xf32, #tpu.memory_space<vmem>> -> memref<128x64xf32, #tpu.memory_space<vmem>>
        %dma_wait3A_344 = arith.constant 0 : i32
        %dma_wait3A_345 = arith.constant 0 : i32
        %dma_wait3A_346 = tpu.memref_slice %arg2[%dma_wait3A_344, %dma_wait3A_345] : memref<1000000x128xf32, #tpu.memory_space<hbm>> -> memref<128x64xf32, #tpu.memory_space<hbm>>
        tpu.wait_dma2 semaphore(%dma_wait3A_339 : memref<!tpu.dma_semaphore, #tpu.memory_space<semaphore_mem>>) src(%dma_wait3A_346 : memref<128x64xf32, #tpu.memory_space<hbm>>) dst(%dma_wait3A_343 : memref<128x64xf32, #tpu.memory_space<vmem>>)
        %add3A_347 = arith.constant 4 : i32
        %add3A_348 = arith.addi %add3A_283, %add3A_347 : i32
        %dma_start3A_349 = arith.constant 3 : i32
        %dma_start3A_350 = arith.constant 3 : i32
        %dma_start3A_351 = arith.constant 0 : i32
        %dma_start3A_352 = arith.constant 0 : i32
        %dma_start3A_353 = tpu.memref_slice %arg6[%dma_start3A_349, %dma_start3A_351, %dma_start3A_352] : memref<4x128x128xf32, #tpu.memory_space<vmem>> -> memref<1x128x128xf32, #tpu.memory_space<vmem>>
        %dma_start3A_354 = tpu.memref_squeeze %dma_start3A_353 : memref<1x128x128xf32, #tpu.memory_space<vmem>> -> memref<128x128xf32, #tpu.memory_space<vmem>>
        %dma_start3A_355 = arith.constant 0 : i32
        %dma_start3A_356 = tpu.memref_slice %arg5[%add3A_348, %dma_start3A_355] : memref<200x128xi32, #tpu.memory_space<vmem>> -> memref<1x128xi32, #tpu.memory_space<vmem>>
        %dma_start3A_357 = tpu.memref_squeeze %dma_start3A_356 : memref<1x128xi32, #tpu.memory_space<vmem>> -> memref<128xi32, #tpu.memory_space<vmem>>
        %dma_start3A_358 = arith.constant 0 : i32
        %dma_start3A_359 = arith.constant 0 : i32
        %dma_start3A_360 = tpu.memref_slice %arg2[%dma_start3A_358, %dma_start3A_359] : memref<1000000x128xf32, #tpu.memory_space<hbm>> -> memref<1000000x128xf32, #tpu.memory_space<hbm>>
        %dma_start3A_361 = tpu.memref_slice %arg7[%dma_start3A_350] : memref<4x!tpu.dma_semaphore, #tpu.memory_space<semaphore_mem>> -> memref<1x!tpu.dma_semaphore, #tpu.memory_space<semaphore_mem>>
        %dma_start3A_362 = tpu.memref_squeeze %dma_start3A_361 : memref<1x!tpu.dma_semaphore, #tpu.memory_space<semaphore_mem>> -> memref<!tpu.dma_semaphore, #tpu.memory_space<semaphore_mem>>
        tpu.enqueue_indirect_dma source(%dma_start3A_360 : memref<1000000x128xf32, #tpu.memory_space<hbm>>) target(%dma_start3A_354 : memref<128x128xf32, #tpu.memory_space<vmem>>) offsets(%dma_start3A_357 : memref<128xi32, #tpu.memory_space<vmem>>) semaphore(%dma_start3A_362 : memref<!tpu.dma_semaphore, #tpu.memory_space<semaphore_mem>>)
      } else {
      }
    }
    %scan3A_67 = arith.constant 50 : i32
    %dma_wait3A = arith.constant 0 : i32
    %dma_wait3A_68 = arith.constant 0 : i32
    %dma_wait3A_69 = arith.constant 0 : i32
    %dma_wait3A_70 = arith.constant 0 : i32
    %dma_wait3A_71 = tpu.memref_slice %arg6[%dma_wait3A, %dma_wait3A_69, %dma_wait3A_70] : memref<4x128x128xf32, #tpu.memory_space<vmem>> -> memref<1x128x64xf32, #tpu.memory_space<vmem>>
    %dma_wait3A_72 = tpu.memref_squeeze %dma_wait3A_71 : memref<1x128x64xf32, #tpu.memory_space<vmem>> -> memref<128x64xf32, #tpu.memory_space<vmem>>
    %dma_wait3A_73 = arith.constant 0 : i32
    %dma_wait3A_74 = arith.constant 0 : i32
    %dma_wait3A_75 = tpu.memref_slice %arg2[%dma_wait3A_73, %dma_wait3A_74] : memref<1000000x128xf32, #tpu.memory_space<hbm>> -> memref<128x64xf32, #tpu.memory_space<hbm>>
    %dma_wait3A_76 = tpu.memref_slice %arg8[%dma_wait3A_68] : memref<4x!tpu.dma_semaphore, #tpu.memory_space<semaphore_mem>> -> memref<1x!tpu.dma_semaphore, #tpu.memory_space<semaphore_mem>>
    %dma_wait3A_77 = tpu.memref_squeeze %dma_wait3A_76 : memref<1x!tpu.dma_semaphore, #tpu.memory_space<semaphore_mem>> -> memref<!tpu.dma_semaphore, #tpu.memory_space<semaphore_mem>>
    %dma_wait3A_78 = arith.constant 0 : i32
    %dma_wait3A_79 = arith.constant 0 : i32
    %dma_wait3A_80 = tpu.memref_slice %arg6[%dma_wait3A, %dma_wait3A_78, %dma_wait3A_79] : memref<4x128x128xf32, #tpu.memory_space<vmem>> -> memref<1x128x64xf32, #tpu.memory_space<vmem>>
    %dma_wait3A_81 = tpu.memref_squeeze %dma_wait3A_80 : memref<1x128x64xf32, #tpu.memory_space<vmem>> -> memref<128x64xf32, #tpu.memory_space<vmem>>
    %dma_wait3A_82 = arith.constant 0 : i32
    %dma_wait3A_83 = arith.constant 0 : i32
    %dma_wait3A_84 = tpu.memref_slice %arg2[%dma_wait3A_82, %dma_wait3A_83] : memref<1000000x128xf32, #tpu.memory_space<hbm>> -> memref<128x64xf32, #tpu.memory_space<hbm>>
    tpu.wait_dma2 semaphore(%dma_wait3A_77 : memref<!tpu.dma_semaphore, #tpu.memory_space<semaphore_mem>>) src(%dma_wait3A_84 : memref<128x64xf32, #tpu.memory_space<hbm>>) dst(%dma_wait3A_81 : memref<128x64xf32, #tpu.memory_space<vmem>>)
    %dma_wait3A_85 = arith.constant 1 : i32
    %dma_wait3A_86 = arith.constant 1 : i32
    %dma_wait3A_87 = arith.constant 0 : i32
    %dma_wait3A_88 = arith.constant 0 : i32
    %dma_wait3A_89 = tpu.memref_slice %arg6[%dma_wait3A_85, %dma_wait3A_87, %dma_wait3A_88] : memref<4x128x128xf32, #tpu.memory_space<vmem>> -> memref<1x128x64xf32, #tpu.memory_space<vmem>>
    %dma_wait3A_90 = tpu.memref_squeeze %dma_wait3A_89 : memref<1x128x64xf32, #tpu.memory_space<vmem>> -> memref<128x64xf32, #tpu.memory_space<vmem>>
    %dma_wait3A_91 = arith.constant 0 : i32
    %dma_wait3A_92 = arith.constant 0 : i32
    %dma_wait3A_93 = tpu.memref_slice %arg2[%dma_wait3A_91, %dma_wait3A_92] : memref<1000000x128xf32, #tpu.memory_space<hbm>> -> memref<128x64xf32, #tpu.memory_space<hbm>>
    %dma_wait3A_94 = tpu.memref_slice %arg8[%dma_wait3A_86] : memref<4x!tpu.dma_semaphore, #tpu.memory_space<semaphore_mem>> -> memref<1x!tpu.dma_semaphore, #tpu.memory_space<semaphore_mem>>
    %dma_wait3A_95 = tpu.memref_squeeze %dma_wait3A_94 : memref<1x!tpu.dma_semaphore, #tpu.memory_space<semaphore_mem>> -> memref<!tpu.dma_semaphore, #tpu.memory_space<semaphore_mem>>
    %dma_wait3A_96 = arith.constant 0 : i32
    %dma_wait3A_97 = arith.constant 0 : i32
    %dma_wait3A_98 = tpu.memref_slice %arg6[%dma_wait3A_85, %dma_wait3A_96, %dma_wait3A_97] : memref<4x128x128xf32, #tpu.memory_space<vmem>> -> memref<1x128x64xf32, #tpu.memory_space<vmem>>
    %dma_wait3A_99 = tpu.memref_squeeze %dma_wait3A_98 : memref<1x128x64xf32, #tpu.memory_space<vmem>> -> memref<128x64xf32, #tpu.memory_space<vmem>>
    %dma_wait3A_100 = arith.constant 0 : i32
    %dma_wait3A_101 = arith.constant 0 : i32
    %dma_wait3A_102 = tpu.memref_slice %arg2[%dma_wait3A_100, %dma_wait3A_101] : memref<1000000x128xf32, #tpu.memory_space<hbm>> -> memref<128x64xf32, #tpu.memory_space<hbm>>
    tpu.wait_dma2 semaphore(%dma_wait3A_95 : memref<!tpu.dma_semaphore, #tpu.memory_space<semaphore_mem>>) src(%dma_wait3A_102 : memref<128x64xf32, #tpu.memory_space<hbm>>) dst(%dma_wait3A_99 : memref<128x64xf32, #tpu.memory_space<vmem>>)
    %dma_wait3A_103 = arith.constant 2 : i32
    %dma_wait3A_104 = arith.constant 2 : i32
    %dma_wait3A_105 = arith.constant 0 : i32
    %dma_wait3A_106 = arith.constant 0 : i32
    %dma_wait3A_107 = tpu.memref_slice %arg6[%dma_wait3A_103, %dma_wait3A_105, %dma_wait3A_106] : memref<4x128x128xf32, #tpu.memory_space<vmem>> -> memref<1x128x64xf32, #tpu.memory_space<vmem>>
    %dma_wait3A_108 = tpu.memref_squeeze %dma_wait3A_107 : memref<1x128x64xf32, #tpu.memory_space<vmem>> -> memref<128x64xf32, #tpu.memory_space<vmem>>
    %dma_wait3A_109 = arith.constant 0 : i32
    %dma_wait3A_110 = arith.constant 0 : i32
    %dma_wait3A_111 = tpu.memref_slice %arg2[%dma_wait3A_109, %dma_wait3A_110] : memref<1000000x128xf32, #tpu.memory_space<hbm>> -> memref<128x64xf32, #tpu.memory_space<hbm>>
    %dma_wait3A_112 = tpu.memref_slice %arg8[%dma_wait3A_104] : memref<4x!tpu.dma_semaphore, #tpu.memory_space<semaphore_mem>> -> memref<1x!tpu.dma_semaphore, #tpu.memory_space<semaphore_mem>>
    %dma_wait3A_113 = tpu.memref_squeeze %dma_wait3A_112 : memref<1x!tpu.dma_semaphore, #tpu.memory_space<semaphore_mem>> -> memref<!tpu.dma_semaphore, #tpu.memory_space<semaphore_mem>>
    %dma_wait3A_114 = arith.constant 0 : i32
    %dma_wait3A_115 = arith.constant 0 : i32
    %dma_wait3A_116 = tpu.memref_slice %arg6[%dma_wait3A_103, %dma_wait3A_114, %dma_wait3A_115] : memref<4x128x128xf32, #tpu.memory_space<vmem>> -> memref<1x128x64xf32, #tpu.memory_space<vmem>>
    %dma_wait3A_117 = tpu.memref_squeeze %dma_wait3A_116 : memref<1x128x64xf32, #tpu.memory_space<vmem>> -> memref<128x64xf32, #tpu.memory_space<vmem>>
    %dma_wait3A_118 = arith.constant 0 : i32
    %dma_wait3A_119 = arith.constant 0 : i32
    %dma_wait3A_120 = tpu.memref_slice %arg2[%dma_wait3A_118, %dma_wait3A_119] : memref<1000000x128xf32, #tpu.memory_space<hbm>> -> memref<128x64xf32, #tpu.memory_space<hbm>>
    tpu.wait_dma2 semaphore(%dma_wait3A_113 : memref<!tpu.dma_semaphore, #tpu.memory_space<semaphore_mem>>) src(%dma_wait3A_120 : memref<128x64xf32, #tpu.memory_space<hbm>>) dst(%dma_wait3A_117 : memref<128x64xf32, #tpu.memory_space<vmem>>)
    %dma_wait3A_121 = arith.constant 3 : i32
    %dma_wait3A_122 = arith.constant 3 : i32
    %dma_wait3A_123 = arith.constant 0 : i32
    %dma_wait3A_124 = arith.constant 0 : i32
    %dma_wait3A_125 = tpu.memref_slice %arg6[%dma_wait3A_121, %dma_wait3A_123, %dma_wait3A_124] : memref<4x128x128xf32, #tpu.memory_space<vmem>> -> memref<1x128x64xf32, #tpu.memory_space<vmem>>
    %dma_wait3A_126 = tpu.memref_squeeze %dma_wait3A_125 : memref<1x128x64xf32, #tpu.memory_space<vmem>> -> memref<128x64xf32, #tpu.memory_space<vmem>>
    %dma_wait3A_127 = arith.constant 0 : i32
    %dma_wait3A_128 = arith.constant 0 : i32
    %dma_wait3A_129 = tpu.memref_slice %arg2[%dma_wait3A_127, %dma_wait3A_128] : memref<1000000x128xf32, #tpu.memory_space<hbm>> -> memref<128x64xf32, #tpu.memory_space<hbm>>
    %dma_wait3A_130 = tpu.memref_slice %arg8[%dma_wait3A_122] : memref<4x!tpu.dma_semaphore, #tpu.memory_space<semaphore_mem>> -> memref<1x!tpu.dma_semaphore, #tpu.memory_space<semaphore_mem>>
    %dma_wait3A_131 = tpu.memref_squeeze %dma_wait3A_130 : memref<1x!tpu.dma_semaphore, #tpu.memory_space<semaphore_mem>> -> memref<!tpu.dma_semaphore, #tpu.memory_space<semaphore_mem>>
    %dma_wait3A_132 = arith.constant 0 : i32
    %dma_wait3A_133 = arith.constant 0 : i32
    %dma_wait3A_134 = tpu.memref_slice %arg6[%dma_wait3A_121, %dma_wait3A_132, %dma_wait3A_133] : memref<4x128x128xf32, #tpu.memory_space<vmem>> -> memref<1x128x64xf32, #tpu.memory_space<vmem>>
    %dma_wait3A_135 = tpu.memref_squeeze %dma_wait3A_134 : memref<1x128x64xf32, #tpu.memory_space<vmem>> -> memref<128x64xf32, #tpu.memory_space<vmem>>
    %dma_wait3A_136 = arith.constant 0 : i32
    %dma_wait3A_137 = arith.constant 0 : i32
    %dma_wait3A_138 = tpu.memref_slice %arg2[%dma_wait3A_136, %dma_wait3A_137] : memref<1000000x128xf32, #tpu.memory_space<hbm>> -> memref<128x64xf32, #tpu.memory_space<hbm>>
    tpu.wait_dma2 semaphore(%dma_wait3A_131 : memref<!tpu.dma_semaphore, #tpu.memory_space<semaphore_mem>>) src(%dma_wait3A_138 : memref<128x64xf32, #tpu.memory_space<hbm>>) dst(%dma_wait3A_135 : memref<128x64xf32, #tpu.memory_space<vmem>>)
    return
  }
}

</mosaic_0001>

<sc_bundles>
// kernel: _sc_gather.3.cloned.1.call-start
scs
__scs_entry_jumppad:
0x0: {  	(pc) =	sbr.rel $0x88, $3  }
0x1: {  	(tag) =	ssettag $0x0;
	lr =	simm.s32 $0x1  }
0x2: {  	[smem:$0x3F9F] =	sst lr;
	_ =	strace $0xD0000000  }
0x3: {  	_ = 	snop  }
0x4: {  	_ = 	snop  }
0x5: {  	_ = 	snop  }
0x6: {  	_ = 	snop  }
0x7: {  	_ = 	snop  }
__scs_overlays_trampoline_lowered:
0x8: {  	[smem:$0x3FAE] =	sst s0  }
0x9: {  	[smem:$0x3FAF] =	sst s1  }
0xa: {  	[smem:$0x3FB0] =	sst s2  }
0xb: {  	[smem:$0x3FB1] =	sst s3  }
0xc: {  	[smem:$0x3FB2] =	sst s4  }
0xd: {  	[smem:$0x3FB3] =	sst s5  }
0xe: {  	[smem:$0x3FB4] =	sst s6  }
0xf: {  	[smem:$0x3FB5] =	sst s7  }
0x10: {  	[smem:$0x3FB6] =	sst s8  }
0x11: {  	[smem:$0x3FB7] =	sst s9;
	s0 =	simm.s32 @!p0 $0x0  }
0x12: {  	s1 =	sld [smem:$0x3F9D];
	s0 =	simm.s32 @p0 $0x1  }
0x13: {  	[smem:$0x3FB8] =	sst s0;
	s0 =	simm.s32 @!p1 $0x0  }
0x14: {  	s2 =	sld [smem:$0x3F9C];
	s0 =	simm.s32 @p1 $0x1  }
0x15: {  	[smem:$0x3FB9] =	sst s0;
	s0 =	simm.s32 @!p2 $0x0  }
0x16: {  	s3 =	sld [smem:$0x3FDB];
	s0 =	simm.s32 @p2 $0x1  }
0x17: {  	s4 =	simm.s32 $0x1BF5;
	[smem:$0x3FBB] =	sst s0  }
0x18: {  	s0 =	sld [smem:$0x3F9E];
	_ =	swait.ge [sflag:s4], $0x0  }
0x19: {  	s7 =	sld [smem:$0x3F9F]  }
0x1a: {  	s8 =	sadd.s32 $0xFFFFE003, lr  }
0x1b: {  	s9 =	sadd.s32 $0xFFFFFEF7, lr;
	s5 =	simm.s32 $0xFFFFFFFF;
	p2 =	slt.u32 s8, $0xFFFFF086  }
0x1c: {  	p1 =	slt.u32 s9, $0xF7A;
	s5 =	simm.s32 @!p2 $0x0  }
0x1d: {  	s5 =	simm.s32 @p1 $0x1;
	p0 =	seq.s32 s7, s2  }
0x1e: {  	s7 =	smul.u32 @!p0 $0xF7A, s2;
	p2 =	seq.s32 @!p0 s5, $0x0  }
0x1f: {  	s9 =	smul.u32 $0xF7A, s1;
	s8 =	simm.s32 @!p0 $0x1BF5;
	p2 =	por !p2, p0  }
0x20: {  	[sflag:s8] =	ssyncset.s32 @!p0 $0xFFFFF086;
	s6 =	sadd.s32 @!p0 s3, s7;
	s7 =	simm.s32 @!p0 $0x108  }
0x21: {  	s3 =	sadd.s32 s3, s9;
	s6 =	sadd.s32 @!p0 $0x88, s6;
	s7 =	simm.s32 @p2 $0x1082  }
0x22: {  	[simem:s7], [sflag:s8] =	dma.local @!p0 [hbm:s6], $0xF7A  }
0x23: {  	s9 =	sor.u32 $0xD0000000, s2;
	s6 =	simm.s32 $0x108;
	_ =	swait.ge @!p0 [sflag:s8], $0x0  }
0x24: {  	s3 =	sadd.s32 $0x88, s3;
	s6 =	simm.s32 @!p1 $0x1082;
	[sflag:s4] =	ssyncset.s32 $0xFFFFF086  }
0x25: {  	[simem:s6], [sflag:s4] =	dma.local [hbm:s3], $0xF7A  }
0x26: {  	[smem:$0x3F9F] =	sst s1;
	(tag) =	ssettag s2;
	_ =	strace s9  }
0x27: {  	s1 =	sld [smem:$0x3FAF]  }
0x28: {  	s2 =	sld [smem:$0x3FB0]  }
0x29: {  	s4 =	sld [smem:$0x3FB2]  }
0x2a: {  	p0 =	seq.s32 s5, $0x0;
	s5 =	sld [smem:$0x3FB3]  }
0x2b: {  	s6 =	sld [smem:$0x3FB4]  }
0x2c: {  	s7 =	sld [smem:$0x3FB5]  }
0x2d: {  	s3 =	simm.s32 $0x108;
	s8 =	sld [smem:$0x3FB6]  }
0x2e: {  	s3 =	simm.s32 @!p0 $0x1082;
	s9 =	sld [smem:$0x3FB7]  }
0x2f: {  	lr =	sadd.s32 s0, s3;
	s0 =	sld [smem:$0x3FAE]  }
0x30: {  	s3 =	sld [smem:$0x3FB1]  }
0x31: {  	[smem:$0x3FBA] =	sst s10  }
0x32: {  	s10 =	sld [smem:$0x3FB8];
	_ =	sdelay $0x3  }
0x33: {  	p0 =	seq.s32 s10, $0x1;
	s10 =	sld [smem:$0x3FBA];
	_ =	sdelay $0x3  }
0x34: {  	[smem:$0x3FBA] =	sst s10  }
0x35: {  	s10 =	sld [smem:$0x3FB9];
	_ =	sdelay $0x3  }
0x36: {  	p1 =	seq.s32 s10, $0x1;
	s10 =	sld [smem:$0x3FBA];
	_ =	sdelay $0x3  }
0x37: {  	[smem:$0x3FBA] =	sst s10  }
0x38: {  	s10 =	sld [smem:$0x3FBB]  }
0x39: {  	_ = 	snop;
	(pc) =	sbr.ind lr, $3  }
0x3a: {  	_ = 	snop  }
0x3b: {  	_ = 	snop  }
0x3c: {  	p2 =	seq.s32 s10, $0x1;
	s10 =	sld [smem:$0x3FBA]  }
0x3d: {  	_ =	shalt  }
0x3e: {  	_ =	shalt  }
0x3f: {  	_ =	shalt  }
0x40: {  	_ =	shalt  }
0x41: {  	_ =	shalt  }
0x42: {  	_ =	shalt  }
0x43: {  	_ =	shalt  }
0x44: {  	_ =	shalt  }
0x45: {  	_ =	shalt  }
0x46: {  	_ =	shalt  }
0x47: {  	_ =	shalt  }
0x48: {  	_ =	shalt  }
0x49: {  	_ =	shalt  }
0x4a: {  	_ =	shalt  }
0x4b: {  	_ =	shalt  }
0x4c: {  	_ =	shalt  }
0x4d: {  	_ =	shalt  }
0x4e: {  	_ =	shalt  }
0x4f: {  	_ =	shalt  }
0x50: {  	_ =	shalt  }
0x51: {  	_ =	shalt  }
0x52: {  	_ =	shalt  }
0x53: {  	_ =	shalt  }
0x54: {  	_ =	shalt  }
0x55: {  	_ =	shalt  }
0x56: {  	_ =	shalt  }
0x57: {  	_ =	shalt  }
0x58: {  	_ =	shalt  }
0x59: {  	_ =	shalt  }
0x5a: {  	_ =	shalt  }
0x5b: {  	_ =	shalt  }
0x5c: {  	_ =	shalt  }
0x5d: {  	_ =	shalt  }
0x5e: {  	_ =	shalt  }
0x5f: {  	_ =	shalt  }
0x60: {  	_ =	shalt  }
0x61: {  	_ =	shalt  }
0x62: {  	_ =	shalt  }
0x63: {  	_ =	shalt  }
0x64: {  	_ =	shalt  }
0x65: {  	_ =	shalt  }
0x66: {  	_ =	shalt  }
0x67: {  	_ =	shalt  }
0x68: {  	_ =	shalt  }
0x69: {  	_ =	shalt  }
0x6a: {  	_ =	shalt  }
0x6b: {  	_ =	shalt  }
0x6c: {  	_ =	shalt  }
0x6d: {  	_ =	shalt  }
0x6e: {  	_ =	shalt  }
0x6f: {  	_ =	shalt  }
0x70: {  	_ =	shalt  }
0x71: {  	_ =	shalt  }
0x72: {  	_ =	shalt  }
0x73: {  	_ =	shalt  }
0x74: {  	_ =	shalt  }
0x75: {  	_ =	shalt  }
0x76: {  	_ =	shalt  }
0x77: {  	_ =	shalt  }
0x78: {  	_ =	shalt  }
0x79: {  	_ =	shalt  }
0x7a: {  	_ =	shalt  }
0x7b: {  	_ =	shalt  }
0x7c: {  	_ =	shalt  }
0x7d: {  	_ =	shalt  }
0x7e: {  	_ =	shalt  }
0x7f: {  	_ =	shalt  }
0x80: {  	_ =	shalt  }
0x81: {  	_ =	shalt  }
0x82: {  	_ =	shalt  }
0x83: {  	_ =	shalt  }
0x84: {  	_ =	shalt  }
0x85: {  	_ =	shalt  }
0x86: {  	_ =	shalt  }
0x87: {  	_ =	shalt  }
.Lfunc_end0:
.L_simem_size_0:
called_computation_lowered:
.L_overlay_start_0:
0x88: {  	s2 =	sld [smem:$0x3FD9]  }
0x89: {  	s3 =	sld [smem:$0x3FFE];
	_ =	sdelay $0x1  }
0x8a: {  	s1 =	srdreg.scid  }
0x8b: {  	s0 =	sand.u32 $0x1, s1  }
0x8c: {  	s18 =	sshll.u32 s0, $0xA;
	s2 =	sadd.s32 s3, s2  }
0x8d: {  	s2 =	sadd.s32 s2, s18  }
0x8e: {  	[smem:$0x3FC6] =	sst s2  }
0x8f: {  	_ = 	snop  }
0x90: {  	s2 =	sld [smem:$0x3FC9]  }
0x91: {  	s19 =	sld [smem:$0x3FC8]  }
0x92: {  	s4 =	sld [smem:$0x3FD0];
	(tm) =	ssettm $0x1  }
0x93: {  	s5 =	sld [smem:$0x3FFB];
	_ =	sdelay $0x3  }
0x94: {  	_ =	strace s5  }
0x95: {  	s5 =	sld [smem:$0x3FFC];
	_ =	sdelay $0x3  }
0x96: {  	_ =	strace s5  }
0x97: {  	s5 =	sld [smem:$0x3FFD];
	_ =	sdelay $0x3  }
0x98: {  	_ =	strace s5  }
0x99: {  	_ =	strace $0x8FFFFFFF  }
0x9a: {  	s20 =	sld [smem:$0x3FDB];
	_ =	sdelay $0x1  }
0x9b: {  	s6 =	simm.s32 $_scs_section_size  }
0x9c: {  	s7 =	simm.s32 $_size__tile_overlayer_lowered;
	s8 =	simm.s32 $_tile_overlayer_lowered  }
0x9d: {  	s23 =	simm.s32 $0x1BFF;
	s22 =	sshll.u32 s8, $0x1;
	s5 =	sadd.s32 s6, s20  }
0x9e: {  	s9 =	simm.s32 $0x0;
	s21 =	sshll.u32 s7, $0x1;
	s7 =	sadd.s32 s22, s5  }
0x9f: {  	[timem:s9], [sflag:s23] =	dma.local [hbm:s7], s21  }
0xa0: {  	_ =	swait.ge [sflag:s23], s21  }
0xa1: {  	s6 =	ssub.s32 $0x0, s21;
	[sflag:s23] =	ssyncset.done $0x0  }
0xa2: {  	[sflag:s23] =	ssyncadd.s32 s6;
	_ =	sdelay $0x1  }
0xa3: {  	s24 =	simm.s32 $0x1B8B  }
0xa4: {  	_ =	swait.ge [sflag:s24], $0x1  }
0xa5: {  	[sflag:s24] =	ssyncset.done $0x0  }
0xa6: {  	s25 =	simm.s32 $0x1B8E;
	[sflag:s24] =	ssyncadd.s32 $0xFFFFFFFF  }
0xa7: {  	s26 =	simm.s32 $execute0_lowered;
	[smem:$0x3FD2] =	sst s25  }
0xa8: {  	s6 =	sshll.u32 s26, $0x1;
	_ =	strace $0x80000046;
	[dreg:$0x1] =	wrdreg $0xFFFFFFFF  }
0xa9: {  	s28 =	simm.s32 $_size_execute0_lowered;
	s5 =	sadd.s32 s5, s6;
	[dreg:$0x0] =	wrdreg $0x0  }
0xaa: {  	s6 =	sshll.u32 s28, $0x1;
	[dreg:$0x2] =	wrdreg s5  }
0xab: {  	[dreg:$0x3] =	wrdreg s6  }
0xac: {  	[dreg:$0x4] =	wrdreg $0xC0  }
0xad: {  	_ =	task [dreg:s9], $0x5FFFF  }
0xae: {  	[dreg:$0x1] =	wrdreg $0xFFFFFFFF  }
0xaf: {  	[dreg:$0x0] =	wrdreg $0x60  }
0xb0: {  	[dreg:$0x2] =	wrdreg s2  }
0xb1: {  	[dreg:$0x3] =	wrdreg s19  }
0xb2: {  	[dreg:$0x4] =	wrdreg s4  }
0xb3: {  	[dreg:$0x5] =	wrdreg $0x9  }
0xb4: {  	_ =	task.clear_ibuf [dreg:s9], $0x6FFFF;
	_ =	strace $0x90000046  }
0xb5: {  	s29 =	simm.s32 $0x9;
	_ =	strace $0x80000048  }
0xb6: {  	_ =	swait.ge [sflag:s29], $0x1  }
0xb7: {  	[sflag:s29] =	ssyncadd.s32 $0xFFFFFFFF  }
0xb8: {  	_ =	strace $0x90000048  }
0xb9: {  	_ =	sfence  }
0xba: {  	s30 =	sld [smem:$0x0];
	_ =	sdelay $0x2  }
0xbb: {  	s31 =	sshll.u32 s1, $0xD;
	s1 =	sshrl.u32 s1, $0x2  }
0xbc: {  	s3 =	sand.u32 $0x4000, s31;
	s1 =	sadd.s32 s1, s30  }
0xbd: {  	s0 =	sor.u32 s3, s0;
	s1 =	sshll.u32 s1, $0x11  }
0xbe: {  	s0 =	sor.u32 s1, s0  }
0xbf: {  	s0 =	sadd.s32 $0x8F2B, s0  }
0xc0: {  	[sflag:s0] =	ssyncadd.remote.s32 $0x1  }
0xc1: {  	_ =	sfence.sel $0xFFFF  }
0xc2: {  	[dreg:$0x0] =	wrdreg $0xFFFFFFFF;
	(pc) =	sbr.abs _section_cstart, $3  }
0xc3: {  	[dreg:$0x1] =	wrdreg $0xFFFFFFFF  }
0xc4: {  	_ =	task.clear_ibuf [dreg:s9], $0x2FFFF;
	_ =	strace $0x9FFFFFFF  }
0xc5: {  	(tm) =	ssettm $0x7FFFFFFF  }
tec
execute0_lowered:
.L_overlay_start_1:
0x0: {  	(tag) =	ssettag $0x1  }
0x1: {  	s1 =	rddreg [dreg:$0x0]  }
0x2: {  	s0 =	rddreg [dreg:$0x1];
	s2 =	srdreg.scid  }
0x3: {  	s4 =	stileid.u32;
	s3 =	rddreg [dreg:$0x2];
	s11 =	simm.s32 $0x9  }
0x4: {  	s12 =	simm.s32 $0x80;
	s17 =	simm.s32 $0x180;
	s18 =	simm.s32 $0x12400  }
0x5: {  	s19 =	simm.s32 $0x1;
	s20 =	simm.s32 $0x2;
	s21 =	simm.s32 $0x3  }
0x6: {  	s22 =	simm.s32 $0x4;
	s2 =	sand.u32 $0x1, s2;
	s5 =	sshll.u32 s4, $0x1  }
0x7: {  	s23 =	simm.s32 $0x5;
	s24 =	simm.s32 $0x6;
	s6 =	sor.u32 s2, s5  }
0x8: {  	s25 =	simm.s32 $0x7;
	s26 =	simm.s32 $0x8;
	s5 =	smul.u32 $0xC80, s6  }
.Ltmp0:
0x9: {  	s28 =	simm.s32 $0x0;
	s4 =	simm.s32 $0x0;
	(pc) =	sbr.rel .LBB2_1-.Ltmp0, $4  }
0xa: {  	[smem:$0x7FF] =	sst s4;
	s2 =	ssub.s32 $0x2, s2;
	s9 =	smul.u32 $0x6400, s6  }
0xb: {  	_ =	strace $0x80000047;
	s7 =	sshrl.u32 s2, $0x1;
	s6 =	smul.u32 $0x320000, s6  }
0xc: {  	s2 =	ssub.s32 s2, s7;
	s5 =	sadd.s32 s0, s5;
	s7 =	sor.u32 $0x80, s9  }
0xd: {  	s8 =	sor.u32 $0x100, s9;
	s9 =	sor.u32 $0x180, s9;
	s10 =	smax.u32 s2, $0x1  }
.LBB2_12:
0xe: {  	_ =	swait.ge [sflag:s23], $0x2000  }
0xf: {  	[sflag:s23] =	ssyncset.done $0x0  }
0x10: {  	[sflag:s23] =	ssyncadd.s32 $0xFFFFE000  }
0x11: {  	_ =	swait.ge [sflag:s24], $0x2000  }
0x12: {  	[sflag:s24] =	ssyncset.done $0x0  }
0x13: {  	s28 =	sadd.s32 $0x1, s28;
	[sflag:s24] =	ssyncadd.s32 $0xFFFFE000  }
0x14: {  	p0 =	sne.s32 s28, s10;
	_ =	swait.ge [sflag:s25], $0x2000  }
.Ltmp1:
0x15: {  	[sflag:s25] =	ssyncset.done $0x0;
	(pc) =	sbr.rel @!p0 .LBB2_13-.Ltmp1, $4  }
0x16: {  	[sflag:s25] =	ssyncadd.s32 $0xFFFFE000  }
0x17: {  	_ =	swait.ge [sflag:s26], $0x2000  }
0x18: {  	[sflag:s26] =	ssyncset.done $0x0  }
0x19: {  	[sflag:s26] =	ssyncadd.s32 $0xFFFFE000  }
.LBB2_1:
0x1a: {  	[tilespmem:s4], [sflag:$0x9] =	stream.linear.gather [hbm4b:s5+s4], $0x6400, $0x38;
	[tilespmem:$0x16400] =	vst v63  }
0x1b: {  	_ =	swait.ge [sflag:s11], $0x6400  }
0x1c: {  	[sflag:s11] =	ssyncset.done $0x0  }
0x1d: {  	s0 =	simm.s32 $0x6400;
	[sflag:s11] =	ssyncadd.s32 $0xFFFF9C00  }
0x1e: {  	[tilespmem:s0], [sflag:$0x1] =	stream.indirect.gather [hbm4b:s1+s12], $0x80, s4, s12, $0xb8;
	[tilespmem:$0x16400] =	vst v63  }
0x1f: {  	s30 =	simm.s32 $0xA400  }
0x20: {  	[tilespmem:s30], [sflag:$0x2] =	stream.indirect.gather [hbm4b:s1+s12], $0x80, s12, s12, $0xb8;
	[tilespmem:$0x16400] =	vst v63  }
0x21: {  	s31 =	simm.s32 $0x100;
	s2 =	simm.s32 $0xE400  }
0x22: {  	[tilespmem:s2], [sflag:$0x3] =	stream.indirect.gather [hbm4b:s1+s12], $0x80, s31, s12, $0xb8;
	[tilespmem:$0x16400] =	vst v63  }
0x23: {  	s29 =	simm.s32 $0x0  }
0x24: {  	[tilespmem:s18], [sflag:$0x4] =	stream.indirect.gather [hbm4b:s1+s12], $0x80, s17, s12, $0xb8;
	[tilespmem:$0x16400] =	vst v63  }
.LBB2_2:
0x25: {  	s0 =	sshll.u32 s29, $0x10  }
0x26: {  	s0 =	sadd.s32 s6, s0  }
0x27: {  	_ =	swait.ge [sflag:s19], $0x4000;
	s13 =	simm.s32 $0x10;
	s0 =	sshrl.u32 s0, $0x3  }
0x28: {  	s14 =	simm.s32 $0x6480;
	[sflag:s19] =	ssyncset.done $0x0;
	s2 =	sadd.s32 s3, s0  }
0x29: {  	[sflag:s19] =	ssyncadd.s32 $0xFFFFC000;
	s0 =	simm.s32 $0x6400;
	s15 =	sadd.s32 $0x0, s2  }
.LBB2_3:
0x2a: {  	[hbm4b:s15+s4] =	stream.linear.scatter [tilespmem:s0], [sflag:$0x5], $0x40, $0x38;
	[tilespmem:$0x16400] =	vst v63  }
0x2b: {  	s15 =	smov.u32 s13;
	s0 =	smov.u32 s14;
	p0 =	sne.s32 s13, $0x7F0  }
.Ltmp2:
0x2c: {  	s13 =	sadd.s32 $0x10, s13;
	(pc) =	sbr.rel @p0 .LBB2_3-.Ltmp2, $2  }
0x2d: {  	_ =	sdelay $0x2  }
0x2e: {  	s14 =	sadd.s32 $0x80, s14;
	s15 =	sadd.s32 s15, s2  }
0x2f: {  	[hbm4b:s15+s4] =	stream.linear.scatter [tilespmem:s0], [sflag:$0x5], $0x40, $0x38;
	[tilespmem:$0x16400] =	vst v63  }
0x30: {  	p0 =	seq.s32 s29, $0x31  }
0x31: {  	s0 =	simm.s32 @!p0 $0x5  }
0x32: {  	s30 =	sshll.u32 s29, $0xB;
	_ =	swait.ge @!p0 [sflag:s0], $0x2000  }
0x33: {  	s31 =	sshrl.u32 @!p0 s30, $0x2;
	s2 =	simm.s32 @!p0 $0x80;
	[sflag:s0] =	ssyncset.done @!p0 $0x0  }
0x34: {  	s13 =	simm.s32 @!p0 $0x6400;
	[sflag:s0] =	ssyncadd.s32 @!p0 $0xFFFFE000;
	s0 =	sadd.s32 @!p0 $0x200, s31  }
0x35: {  	[tilespmem:s13], [sflag:$0x1] =	stream.indirect.gather @!p0 [hbm4b:s1+s2], $0x80, s0, s2, $0xb8;
	[tilespmem:$0x16400] =	vst v63  }
0x36: {  	s2 =	sshll.u32 s29, $0x9  }
0x37: {  	s16 =	sadd.s32 s2, s7  }
0x38: {  	s0 =	sshll.u32 s16, $0x4  }
0x39: {  	s14 =	simm.s32 $0x10;
	_ =	swait.ge [sflag:s20], $0x4000;
	s0 =	sand.u32 $0x1FFFE800, s0  }
0x3a: {  	s15 =	simm.s32 $0xA480;
	[sflag:s20] =	ssyncset.done $0x0;
	s0 =	sadd.s32 s3, s0  }
0x3b: {  	s13 =	simm.s32 $0xA400;
	[sflag:s20] =	ssyncadd.s32 $0xFFFFC000;
	s16 =	sadd.s32 $0x0, s0  }
.LBB2_5:
0x3c: {  	[hbm4b:s16+s4] =	stream.linear.scatter [tilespmem:s13], [sflag:$0x6], $0x40, $0x38;
	[tilespmem:$0x16400] =	vst v63  }
0x3d: {  	s16 =	smov.u32 s14;
	s13 =	smov.u32 s15;
	p1 =	sne.s32 s14, $0x7F0  }
.Ltmp3:
0x3e: {  	s14 =	sadd.s32 $0x10, s14;
	(pc) =	sbr.rel @p1 .LBB2_5-.Ltmp3, $2  }
0x3f: {  	_ =	sdelay $0x2  }
0x40: {  	s15 =	sadd.s32 $0x80, s15;
	s16 =	sadd.s32 s16, s0  }
0x41: {  	[hbm4b:s16+s4] =	stream.linear.scatter [tilespmem:s13], [sflag:$0x6], $0x40, $0x38;
	[tilespmem:$0x16400] =	vst v63  }
0x42: {  	s0 =	simm.s32 @!p0 $0x6  }
0x43: {  	_ =	swait.ge @!p0 [sflag:s0], $0x2000  }
0x44: {  	s13 =	simm.s32 @!p0 $0x80;
	s14 =	simm.s32 @!p0 $0xA400;
	[sflag:s0] =	ssyncset.done @!p0 $0x0  }
0x45: {  	s16 =	sadd.s32 s2, s8;
	[sflag:s0] =	ssyncadd.s32 @!p0 $0xFFFFE000;
	s0 =	sadd.s32 @!p0 $0x280, s31  }
0x46: {  	[tilespmem:s14], [sflag:$0x2] =	stream.indirect.gather @!p0 [hbm4b:s1+s13], $0x80, s0, s13, $0xb8;
	[tilespmem:$0x16400] =	vst v63  }
0x47: {  	s0 =	sshll.u32 s16, $0x4  }
0x48: {  	s15 =	simm.s32 $0xE480;
	_ =	swait.ge [sflag:s21], $0x4000;
	s0 =	sand.u32 $0x1FFFF000, s0  }
0x49: {  	s13 =	simm.s32 $0xE400;
	[sflag:s21] =	ssyncset.done $0x0;
	s0 =	sadd.s32 s3, s0  }
0x4a: {  	s14 =	simm.s32 $0x10;
	[sflag:s21] =	ssyncadd.s32 $0xFFFFC000;
	s16 =	sadd.s32 $0x0, s0  }
.LBB2_7:
0x4b: {  	[hbm4b:s16+s4] =	stream.linear.scatter [tilespmem:s13], [sflag:$0x7], $0x40, $0x38;
	[tilespmem:$0x16400] =	vst v63  }
0x4c: {  	s16 =	smov.u32 s14;
	s13 =	smov.u32 s15;
	p1 =	sne.s32 s14, $0x7F0  }
.Ltmp4:
0x4d: {  	s14 =	sadd.s32 $0x10, s14;
	(pc) =	sbr.rel @p1 .LBB2_7-.Ltmp4, $2  }
0x4e: {  	_ =	sdelay $0x2  }
0x4f: {  	s15 =	sadd.s32 $0x80, s15;
	s16 =	sadd.s32 s16, s0  }
0x50: {  	[hbm4b:s16+s4] =	stream.linear.scatter [tilespmem:s13], [sflag:$0x7], $0x40, $0x38;
	[tilespmem:$0x16400] =	vst v63  }
0x51: {  	s0 =	simm.s32 @!p0 $0x7  }
0x52: {  	_ =	swait.ge @!p0 [sflag:s0], $0x2000  }
0x53: {  	s13 =	simm.s32 @!p0 $0x80;
	s14 =	simm.s32 @!p0 $0xE400;
	[sflag:s0] =	ssyncset.done @!p0 $0x0  }
0x54: {  	[sflag:s0] =	ssyncadd.s32 @!p0 $0xFFFFE000;
	s0 =	sadd.s32 @!p0 $0x300, s31;
	s31 =	sadd.s32 s2, s9  }
0x55: {  	[tilespmem:s14], [sflag:$0x3] =	stream.indirect.gather @!p0 [hbm4b:s1+s13], $0x80, s0, s13, $0xb8;
	[tilespmem:$0x16400] =	vst v63  }
0x56: {  	s0 =	sshll.u32 s31, $0x4  }
0x57: {  	s2 =	simm.s32 $0x12400;
	_ =	swait.ge [sflag:s22], $0x4000;
	s0 =	sand.u32 $0x1FFFF800, s0  }
0x58: {  	s13 =	simm.s32 $0x10;
	[sflag:s22] =	ssyncset.done $0x0;
	s0 =	sadd.s32 s3, s0  }
0x59: {  	s14 =	simm.s32 $0x12480;
	[sflag:s22] =	ssyncadd.s32 $0xFFFFC000;
	s15 =	sadd.s32 $0x0, s0  }
.LBB2_9:
0x5a: {  	[hbm4b:s15+s4] =	stream.linear.scatter [tilespmem:s2], [sflag:$0x8], $0x40, $0x38;
	[tilespmem:$0x16400] =	vst v63  }
0x5b: {  	s15 =	smov.u32 s13;
	s2 =	smov.u32 s14;
	p1 =	sne.s32 s13, $0x7F0  }
.Ltmp5:
0x5c: {  	s13 =	sadd.s32 $0x10, s13;
	(pc) =	sbr.rel @p1 .LBB2_9-.Ltmp5, $2  }
0x5d: {  	_ =	sdelay $0x2  }
0x5e: {  	s14 =	sadd.s32 $0x80, s14;
	s15 =	sadd.s32 s15, s0  }
.Ltmp6:
0x5f: {  	(pc) =	sbr.rel @p0 .LBB2_12-.Ltmp6, $2  }
0x60: {  	_ =	sdelay $0x2  }
0x61: {  	[hbm4b:s15+s4] =	stream.linear.scatter [tilespmem:s2], [sflag:$0x8], $0x40, $0x38;
	[tilespmem:$0x16400] =	vst v63  }
.Ltmp7:
0x62: {  	(pc) =	sbr.rel .LBB2_2-.Ltmp7, $4  }
0x63: {  	_ =	swait.ge [sflag:s26], $0x2000  }
0x64: {  	s0 =	sshrl.u32 s30, $0x2;
	[sflag:s26] =	ssyncset.done $0x0  }
0x65: {  	s29 =	sadd.s32 $0x1, s29;
	s0 =	sadd.s32 $0x380, s0;
	[sflag:s26] =	ssyncadd.s32 $0xFFFFE000  }
0x66: {  	[tilespmem:s18], [sflag:$0x4] =	stream.indirect.gather [hbm4b:s1+s12], $0x80, s0, s12, $0xb8;
	[tilespmem:$0x16400] =	vst v63  }
.LBB2_13:
0x67: {  	_ =	sfence.sel $0x180000  }
0x68: {  	[bflag:$0x0] =	sbarrier.arrive $0xFFFF  }
0x69: {  	_ =	strace $0x90000047  }
0x6a: {  	s0 =	stileid.u32;
	[bflag:$0x2] =	sbarrier.arrive $0xFFFF  }
0x6b: {  	p0 =	sne.s32 s0, $0x0;
	s0 =	rddreg [dreg:$0x3]  }
0x6c: {  	s0 =	sadd.s32 @!p0 $0x100000, s0  }
0x6d: {  	[sflag:s0] =	ssyncadd.tile.s32 @!p0 $0x1;
	_ =	shalt  }
.Lfunc_end2:
_tile_overlayer_lowered:
.L_overlay_start_2:
0x6e: {  	(tag) =	ssettag $0x2  }
0x6f: {  	s0 =	rddreg [dreg:$0x0];
	s2 =	stileid.u32  }
0x70: {  	s1 =	rddreg [dreg:$0x1];
	p0 =	sne.s32 s2, $0x0  }
0x71: {  	s3 =	rddreg [dreg:$0x2];
	[bflag:$0x3] =	sbarrier.arrive $0xFFFF;
	s2 =	simm.s32 @!p0 $0x1C09  }
0x72: {  	[timem:s3], [sflag:s2] =	dma.local @!p0 [hbm:s0], s1  }
0x73: {  	s0 =	simm.s32 @!p0 $0x9  }
0x74: {  	_ =	swait.ge @!p0 [sflag:s0], s1  }
0x75: {  	s1 =	ssub.s32 @!p0 $0x0, s1;
	[sflag:s0] =	ssyncset.done @!p0 $0x0  }
0x76: {  	[sflag:s0] =	ssyncadd.s32 @!p0 s1  }
0x77: {  	[bflag:$0x3] =	sbarrier.arrive $0xFFFF  }
0x78: {  	_ =	shalt  }

</sc_bundles>
